<compile_context>
chip_gen: v7x
topology: tpu7x:2x2x1
jax: 0.10.2.dev20260603
libtpu: 0.0.44.dev20260713+nightly
codegen_flags: <defaults>
</compile_context>

<pallas_src>
import functools

import jax
import jax.numpy as jnp
from jax import lax
from jax.experimental import pallas as pl
from jax.experimental.pallas import tpu as pltpu
from jax.experimental.pallas import tpu_sc as plsc

_NUM_CORES = 2
_NUM_SUBCORES = 16
_NUM_WORKERS = _NUM_CORES * _NUM_SUBCORES
_CHUNK = 1024


@functools.partial(jax.jit, static_argnames=("b_per_w", "n_chunks", "d"))
def _sc_lookup(x_flat, table, *, b_per_w, n_chunks, d):
    mesh = plsc.VectorSubcoreMesh(
        core_axis_name="c", subcore_axis_name="s",
        num_cores=_NUM_CORES, num_subcores=_NUM_SUBCORES)

    @functools.partial(
        pl.kernel,
        out_type=jax.ShapeDtypeStruct((x_flat.shape[0], d), table.dtype),
        mesh=mesh,
        compiler_params=pltpu.CompilerParams(use_tc_tiling_on_sc=False),
        scratch_types=[
            pltpu.VMEM((b_per_w,), jnp.int32),
            pltpu.VMEM((2, _CHUNK, d), table.dtype),
            pltpu.SemaphoreType.DMA,
        ],
    )
    def run(x_hbm, table_hbm, out_hbm, idx_v, rows_v, gsem):
        wid = lax.axis_index("s") * _NUM_CORES + lax.axis_index("c")
        base = pl.multiple_of(wid * b_per_w, b_per_w)
        pltpu.sync_copy(x_hbm.at[pl.ds(base, b_per_w)], idx_v)

        def gather(g, buf):
            off = pl.multiple_of(g * _CHUNK, _CHUNK)
            return pltpu.async_copy(
                table_hbm.at[idx_v.at[pl.ds(off, _CHUNK)]],
                rows_v.at[buf], gsem)

        gather(0, 0)

        def pair(k, carry):
            for par in (0, 1):
                g = 2 * k + par
                @pl.when(g + 1 < n_chunks)
                def _():
                    gather(g + 1, 1 - par)
                pltpu.make_async_copy(
                    table_hbm.at[idx_v.at[pl.ds(0, _CHUNK)]],
                    rows_v.at[par], gsem).wait()
                off = pl.multiple_of(g * _CHUNK, _CHUNK)
                pltpu.sync_copy(rows_v.at[par],
                                out_hbm.at[pl.ds(base + off, _CHUNK)])
            return carry

        lax.fori_loop(0, n_chunks // 2, pair, 0)

        if n_chunks % 2:
            g = n_chunks - 1
            par = g % 2
            pltpu.make_async_copy(
                table_hbm.at[idx_v.at[pl.ds(0, _CHUNK)]],
                rows_v.at[par], gsem).wait()
            off = pl.multiple_of(g * _CHUNK, _CHUNK)
            pltpu.sync_copy(rows_v.at[par],
                            out_hbm.at[pl.ds(base + off, _CHUNK)])

    return run(x_flat, table)


def kernel(x, table):
    b, h = x.shape
    v, d = table.shape
    n = b * h
    assert n % _NUM_WORKERS == 0
    b_per_w = n // _NUM_WORKERS
    assert b_per_w % (2 * _CHUNK) == 0 or b_per_w % _CHUNK == 0
    x_flat = x.reshape(n).astype(jnp.int32)
    out = _sc_lookup(x_flat, table, b_per_w=b_per_w,
                     n_chunks=b_per_w // _CHUNK, d=d)
    return out.reshape(b, h, d)

# --- scband reference (transcript-rebuilt; emitter-appended) ---
"""Pipeline reference for scband-mock-net-10316511445229 (READ-ONLY COPY).

The authoritative reference and input builder live on the scoring server;
editing this copy changes nothing except your own understanding.
"""

import jax, jax.numpy as jnp
import numpy as np

VOCAB = 1000000
EMBED_DIM = 64
BATCH = 16384
HIST = 50

def setup_inputs(seed: int = 0) -> dict:
    key = jax.random.key(seed)
    k1, k2 = jax.random.split(key)
    x = jax.random.randint(k1, (BATCH, HIST), 0, VOCAB, dtype=jnp.int64) if jax.config.jax_enable_x64 else jax.random.randint(k1, (BATCH, HIST), 0, VOCAB, dtype=jnp.int32)
    table = (jax.random.normal(k2, (VOCAB, EMBED_DIM), dtype=jnp.float32)).astype(jnp.bfloat16)
    return {"x": x, "table": table}

def reference(x, table):
    # torch.nn.Embedding lookup: out[b, t, :] = table[x[b, t], :]
    return jnp.take(table, x, axis=0)

if __name__ == "__main__":
    import jax
    _d = setup_inputs()
    print(jax.jit(kernel)(*tuple(_d.values())))

</pallas_src>

<mosaic_0001>
#map = affine_map<(d0, d1) -> (0)>
#map1 = affine_map<(d0, d1) -> (0, 0)>
module attributes {stable_mosaic.version = 14 : i64} {
  func.func @run(%arg0: i32, %arg1: i32, %arg2: memref<819200xi32, #tpu.memory_space<hbm>>, %arg3: memref<1000000x64xbf16, #tpu.memory_space<hbm>>, %arg4: memref<819200x64xbf16, #tpu.memory_space<hbm>>, %arg5: memref<25600xi32, #tpu.memory_space<vmem>>, %arg6: memref<2x1024x64xbf16, #tpu.memory_space<vmem>>, %arg7: memref<!tpu.dma_semaphore, #tpu.memory_space<semaphore_mem>>) attributes {dimension_semantics = [#tpu.dimension_semantics<core_parallel>, #tpu.dimension_semantics<subcore_parallel>], iteration_bounds = array<i64: 2, 16>, scalar_prefetch = 0 : i64, scratch_operands = 3 : i64, tpu.core_type = #tpu.core_type<sc_vector_subcore>, window_params = [{transform_indices = #map}, {transform_indices = #map1}, {transform_indices = #map1}]} {
    %mul3A = arith.constant 2 : i32
    %mul3A_0 = arith.muli %arg1, %mul3A : i32
    %add3A = arith.addi %mul3A_0, %arg0 : i32
    %mul3A_1 = arith.constant 25600 : i32
    %mul3A_2 = arith.muli %add3A, %mul3A_1 : i32
    %multiple_of3A = tpu.assume_multiple %mul3A_2, 25600 : i32
    "tpu.region"() ({
      %run_scoped3A_30 = tpu.sem_alloc : memref<!tpu.dma_semaphore, #tpu.memory_space<semaphore_mem>>
      %dma_start3A_31 = tpu.memref_slice %arg2[%multiple_of3A] : memref<819200xi32, #tpu.memory_space<hbm>> -> memref<25600xi32, #tpu.memory_space<hbm>>
      %dma_start3A_32 = tpu.memref_slice %arg2[%multiple_of3A] : memref<819200xi32, #tpu.memory_space<hbm>> -> memref<25600xi32, #tpu.memory_space<hbm>>
      tpu.enqueue_dma source(%dma_start3A_32 : memref<25600xi32, #tpu.memory_space<hbm>>) target(%arg5 : memref<25600xi32, #tpu.memory_space<vmem>>) target_semaphore(%run_scoped3A_30 : memref<!tpu.dma_semaphore, #tpu.memory_space<semaphore_mem>>)
      %dma_wait3A_33 = tpu.memref_slice %arg2[%multiple_of3A] : memref<819200xi32, #tpu.memory_space<hbm>> -> memref<25600xi32, #tpu.memory_space<hbm>>
      %dma_wait3A_34 = tpu.memref_slice %arg2[%multiple_of3A] : memref<819200xi32, #tpu.memory_space<hbm>> -> memref<25600xi32, #tpu.memory_space<hbm>>
      tpu.wait_dma2 semaphore(%run_scoped3A_30 : memref<!tpu.dma_semaphore, #tpu.memory_space<semaphore_mem>>) src(%dma_wait3A_34 : memref<25600xi32, #tpu.memory_space<hbm>>) dst(%arg5 : memref<25600xi32, #tpu.memory_space<vmem>>)
      tpu.yield
    }) : () -> ()
    %multiple_of3A_3 = arith.constant 0 : i32
    %multiple_of3A_4 = tpu.assume_multiple %multiple_of3A_3, 1024 : i32
    %dma_start3A = arith.constant 0 : i32
    %dma_start3A_5 = arith.constant 0 : i32
    %dma_start3A_6 = arith.constant 0 : i32
    %dma_start3A_7 = tpu.memref_slice %arg6[%dma_start3A, %dma_start3A_5, %dma_start3A_6] : memref<2x1024x64xbf16, #tpu.memory_space<vmem>> -> memref<1x1024x64xbf16, #tpu.memory_space<vmem>>
    %dma_start3A_8 = tpu.memref_squeeze %dma_start3A_7 : memref<1x1024x64xbf16, #tpu.memory_space<vmem>> -> memref<1024x64xbf16, #tpu.memory_space<vmem>>
    %dma_start3A_9 = tpu.memref_slice %arg5[%multiple_of3A_4] : memref<25600xi32, #tpu.memory_space<vmem>> -> memref<1024xi32, #tpu.memory_space<vmem>>
    %dma_start3A_10 = arith.constant 0 : i32
    %dma_start3A_11 = arith.constant 0 : i32
    %dma_start3A_12 = tpu.memref_slice %arg3[%dma_start3A_10, %dma_start3A_11] : memref<1000000x64xbf16, #tpu.memory_space<hbm>> -> memref<1000000x64xbf16, #tpu.memory_space<hbm>>
    tpu.enqueue_indirect_dma source(%dma_start3A_12 : memref<1000000x64xbf16, #tpu.memory_space<hbm>>) target(%dma_start3A_8 : memref<1024x64xbf16, #tpu.memory_space<vmem>>) offsets(%dma_start3A_9 : memref<1024xi32, #tpu.memory_space<vmem>>) semaphore(%arg7 : memref<!tpu.dma_semaphore, #tpu.memory_space<semaphore_mem>>)
    %scan3A = arith.constant 0 : i32
    %scan3A_13 = arith.constant 0 : i32
    %scan3A_14 = arith.constant 12 : i32
    %scan3A_15 = arith.addi %scan3A_13, %scan3A_14 : i32
    %scan3A_16 = arith.constant 1 : i32
    scf.for %scan3A_30 = %scan3A_13 to %scan3A_15 step %scan3A_16  : i32 {
      %mul3A_31 = arith.constant 2 : i32
      %mul3A_32 = arith.muli %mul3A_31, %scan3A_30 : i32
      %add3A_33 = arith.constant 0 : i32
      %add3A_34 = arith.addi %mul3A_32, %add3A_33 : i32
      %add3A_35 = arith.constant 1 : i32
      %add3A_36 = arith.addi %add3A_34, %add3A_35 : i32
      %lt3A = arith.constant 25 : i32
      %lt3A_37 = arith.cmpi slt, %add3A_36, %lt3A : i32
      %convert_element_type3A = arith.extui %lt3A_37 : i1 to i32
      %cond3A = arith.constant 0 : i32
      %cond3A_38 = arith.cmpi ne, %convert_element_type3A, %cond3A : i32
      scf.if %cond3A_38 {
        %add3A_80 = arith.constant 1 : i32
        %add3A_81 = arith.addi %add3A_34, %add3A_80 : i32
        %mul3A_82 = arith.constant 1024 : i32
        %mul3A_83 = arith.muli %add3A_81, %mul3A_82 : i32
        %multiple_of3A_84 = tpu.assume_multiple %mul3A_83, 1024 : i32
        %dma_start3A_85 = arith.constant 1 : i32
        %dma_start3A_86 = arith.constant 0 : i32
        %dma_start3A_87 = arith.constant 0 : i32
        %dma_start3A_88 = tpu.memref_slice %arg6[%dma_start3A_85, %dma_start3A_86, %dma_start3A_87] : memref<2x1024x64xbf16, #tpu.memory_space<vmem>> -> memref<1x1024x64xbf16, #tpu.memory_space<vmem>>
        %dma_start3A_89 = tpu.memref_squeeze %dma_start3A_88 : memref<1x1024x64xbf16, #tpu.memory_space<vmem>> -> memref<1024x64xbf16, #tpu.memory_space<vmem>>
        %dma_start3A_90 = tpu.memref_slice %arg5[%multiple_of3A_84] : memref<25600xi32, #tpu.memory_space<vmem>> -> memref<1024xi32, #tpu.memory_space<vmem>>
        %dma_start3A_91 = arith.constant 0 : i32
        %dma_start3A_92 = arith.constant 0 : i32
        %dma_start3A_93 = tpu.memref_slice %arg3[%dma_start3A_91, %dma_start3A_92] : memref<1000000x64xbf16, #tpu.memory_space<hbm>> -> memref<1000000x64xbf16, #tpu.memory_space<hbm>>
        tpu.enqueue_indirect_dma source(%dma_start3A_93 : memref<1000000x64xbf16, #tpu.memory_space<hbm>>) target(%dma_start3A_89 : memref<1024x64xbf16, #tpu.memory_space<vmem>>) offsets(%dma_start3A_90 : memref<1024xi32, #tpu.memory_space<vmem>>) semaphore(%arg7 : memref<!tpu.dma_semaphore, #tpu.memory_space<semaphore_mem>>)
      } else {
      }
      %dma_wait3A_39 = arith.constant 0 : i32
      %dma_wait3A_40 = arith.constant 0 : i32
      %dma_wait3A_41 = arith.constant 0 : i32
      %dma_wait3A_42 = tpu.memref_slice %arg6[%dma_wait3A_39, %dma_wait3A_40, %dma_wait3A_41] : memref<2x1024x64xbf16, #tpu.memory_space<vmem>> -> memref<1x1024x64xbf16, #tpu.memory_space<vmem>>
      %dma_wait3A_43 = tpu.memref_squeeze %dma_wait3A_42 : memref<1x1024x64xbf16, #tpu.memory_space<vmem>> -> memref<1024x64xbf16, #tpu.memory_space<vmem>>
      %dma_wait3A_44 = arith.constant 0 : i32
      %dma_wait3A_45 = tpu.memref_slice %arg5[%dma_wait3A_44] : memref<25600xi32, #tpu.memory_space<vmem>> -> memref<1024xi32, #tpu.memory_space<vmem>>
      %dma_wait3A_46 = arith.constant 0 : i32
      %dma_wait3A_47 = arith.constant 0 : i32
      %dma_wait3A_48 = tpu.memref_slice %arg3[%dma_wait3A_46, %dma_wait3A_47] : memref<1000000x64xbf16, #tpu.memory_space<hbm>> -> memref<1000000x64xbf16, #tpu.memory_space<hbm>>
      tpu.wait_indirect_dma semaphore(%arg7 : memref<!tpu.dma_semaphore, #tpu.memory_space<semaphore_mem>>) src(%dma_wait3A_48 : memref<1000000x64xbf16, #tpu.memory_space<hbm>>) dst(%dma_wait3A_43 : memref<1024x64xbf16, #tpu.memory_space<vmem>>)
      %mul3A_49 = arith.constant 1024 : i32
      %mul3A_50 = arith.muli %add3A_34, %mul3A_49 : i32
      %multiple_of3A_51 = tpu.assume_multiple %mul3A_50, 1024 : i32
      %add3A_52 = arith.addi %multiple_of3A, %multiple_of3A_51 : i32
      %run_scoped3A_53 = arith.constant 0 : i32
      "tpu.region"() ({
        %run_scoped3A_80 = tpu.sem_alloc : memref<!tpu.dma_semaphore, #tpu.memory_space<semaphore_mem>>
        %dma_start3A_81 = arith.constant 0 : i32
        %dma_start3A_82 = arith.constant 0 : i32
        %dma_start3A_83 = tpu.memref_slice %arg6[%run_scoped3A_53, %dma_start3A_81, %dma_start3A_82] : memref<2x1024x64xbf16, #tpu.memory_space<vmem>> -> memref<1x1024x64xbf16, #tpu.memory_space<vmem>>
        %dma_start3A_84 = tpu.memref_squeeze %dma_start3A_83 : memref<1x1024x64xbf16, #tpu.memory_space<vmem>> -> memref<1024x64xbf16, #tpu.memory_space<vmem>>
        %dma_start3A_85 = arith.constant 0 : i32
        %dma_start3A_86 = tpu.memref_slice %arg4[%add3A_52, %dma_start3A_85] : memref<819200x64xbf16, #tpu.memory_space<hbm>> -> memref<1024x64xbf16, #tpu.memory_space<hbm>>
        %dma_start3A_87 = arith.constant 0 : i32
        %dma_start3A_88 = tpu.memref_slice %arg4[%add3A_52, %dma_start3A_87] : memref<819200x64xbf16, #tpu.memory_space<hbm>> -> memref<1024x64xbf16, #tpu.memory_space<hbm>>
        %dma_start3A_89 = arith.constant 0 : i32
        %dma_start3A_90 = arith.constant 0 : i32
        %dma_start3A_91 = tpu.memref_slice %arg6[%run_scoped3A_53, %dma_start3A_89, %dma_start3A_90] : memref<2x1024x64xbf16, #tpu.memory_space<vmem>> -> memref<1x1024x64xbf16, #tpu.memory_space<vmem>>
        %dma_start3A_92 = tpu.memref_squeeze %dma_start3A_91 : memref<1x1024x64xbf16, #tpu.memory_space<vmem>> -> memref<1024x64xbf16, #tpu.memory_space<vmem>>
        tpu.enqueue_dma source(%dma_start3A_92 : memref<1024x64xbf16, #tpu.memory_space<vmem>>) target(%dma_start3A_88 : memref<1024x64xbf16, #tpu.memory_space<hbm>>) target_semaphore(%run_scoped3A_80 : memref<!tpu.dma_semaphore, #tpu.memory_space<semaphore_mem>>)
        %dma_wait3A_93 = arith.constant 0 : i32
        %dma_wait3A_94 = arith.constant 0 : i32
        %dma_wait3A_95 = tpu.memref_slice %arg6[%run_scoped3A_53, %dma_wait3A_93, %dma_wait3A_94] : memref<2x1024x64xbf16, #tpu.memory_space<vmem>> -> memref<1x1024x64xbf16, #tpu.memory_space<vmem>>
        %dma_wait3A_96 = tpu.memref_squeeze %dma_wait3A_95 : memref<1x1024x64xbf16, #tpu.memory_space<vmem>> -> memref<1024x64xbf16, #tpu.memory_space<vmem>>
        %dma_wait3A_97 = arith.constant 0 : i32
        %dma_wait3A_98 = tpu.memref_slice %arg4[%add3A_52, %dma_wait3A_97] : memref<819200x64xbf16, #tpu.memory_space<hbm>> -> memref<1024x64xbf16, #tpu.memory_space<hbm>>
        %dma_wait3A_99 = arith.constant 0 : i32
        %dma_wait3A_100 = tpu.memref_slice %arg4[%add3A_52, %dma_wait3A_99] : memref<819200x64xbf16, #tpu.memory_space<hbm>> -> memref<1024x64xbf16, #tpu.memory_space<hbm>>
        %dma_wait3A_101 = arith.constant 0 : i32
        %dma_wait3A_102 = arith.constant 0 : i32
        %dma_wait3A_103 = tpu.memref_slice %arg6[%run_scoped3A_53, %dma_wait3A_101, %dma_wait3A_102] : memref<2x1024x64xbf16, #tpu.memory_space<vmem>> -> memref<1x1024x64xbf16, #tpu.memory_space<vmem>>
        %dma_wait3A_104 = tpu.memref_squeeze %dma_wait3A_103 : memref<1x1024x64xbf16, #tpu.memory_space<vmem>> -> memref<1024x64xbf16, #tpu.memory_space<vmem>>
        tpu.wait_dma2 semaphore(%run_scoped3A_80 : memref<!tpu.dma_semaphore, #tpu.memory_space<semaphore_mem>>) src(%dma_wait3A_104 : memref<1024x64xbf16, #tpu.memory_space<vmem>>) dst(%dma_wait3A_100 : memref<1024x64xbf16, #tpu.memory_space<hbm>>)
        tpu.yield
      }) : () -> ()
      %mul3A_54 = arith.constant 2 : i32
      %mul3A_55 = arith.muli %mul3A_54, %scan3A_30 : i32
      %add3A_56 = arith.constant 1 : i32
      %add3A_57 = arith.addi %mul3A_55, %add3A_56 : i32
      %add3A_58 = arith.constant 1 : i32
      %add3A_59 = arith.addi %add3A_57, %add3A_58 : i32
      %lt3A_60 = arith.constant 25 : i32
      %lt3A_61 = arith.cmpi slt, %add3A_59, %lt3A_60 : i32
      %convert_element_type3A_62 = arith.extui %lt3A_61 : i1 to i32
      %cond3A_63 = arith.constant 0 : i32
      %cond3A_64 = arith.cmpi ne, %convert_element_type3A_62, %cond3A_63 : i32
      scf.if %cond3A_64 {
        %add3A_80 = arith.constant 1 : i32
        %add3A_81 = arith.addi %add3A_57, %add3A_80 : i32
        %mul3A_82 = arith.constant 1024 : i32
        %mul3A_83 = arith.muli %add3A_81, %mul3A_82 : i32
        %multiple_of3A_84 = tpu.assume_multiple %mul3A_83, 1024 : i32
        %dma_start3A_85 = arith.constant 0 : i32
        %dma_start3A_86 = arith.constant 0 : i32
        %dma_start3A_87 = arith.constant 0 : i32
        %dma_start3A_88 = tpu.memref_slice %arg6[%dma_start3A_85, %dma_start3A_86, %dma_start3A_87] : memref<2x1024x64xbf16, #tpu.memory_space<vmem>> -> memref<1x1024x64xbf16, #tpu.memory_space<vmem>>
        %dma_start3A_89 = tpu.memref_squeeze %dma_start3A_88 : memref<1x1024x64xbf16, #tpu.memory_space<vmem>> -> memref<1024x64xbf16, #tpu.memory_space<vmem>>
        %dma_start3A_90 = tpu.memref_slice %arg5[%multiple_of3A_84] : memref<25600xi32, #tpu.memory_space<vmem>> -> memref<1024xi32, #tpu.memory_space<vmem>>
        %dma_start3A_91 = arith.constant 0 : i32
        %dma_start3A_92 = arith.constant 0 : i32
        %dma_start3A_93 = tpu.memref_slice %arg3[%dma_start3A_91, %dma_start3A_92] : memref<1000000x64xbf16, #tpu.memory_space<hbm>> -> memref<1000000x64xbf16, #tpu.memory_space<hbm>>
        tpu.enqueue_indirect_dma source(%dma_start3A_93 : memref<1000000x64xbf16, #tpu.memory_space<hbm>>) target(%dma_start3A_89 : memref<1024x64xbf16, #tpu.memory_space<vmem>>) offsets(%dma_start3A_90 : memref<1024xi32, #tpu.memory_space<vmem>>) semaphore(%arg7 : memref<!tpu.dma_semaphore, #tpu.memory_space<semaphore_mem>>)
      } else {
      }
      %dma_wait3A_65 = arith.constant 1 : i32
      %dma_wait3A_66 = arith.constant 0 : i32
      %dma_wait3A_67 = arith.constant 0 : i32
      %dma_wait3A_68 = tpu.memref_slice %arg6[%dma_wait3A_65, %dma_wait3A_66, %dma_wait3A_67] : memref<2x1024x64xbf16, #tpu.memory_space<vmem>> -> memref<1x1024x64xbf16, #tpu.memory_space<vmem>>
      %dma_wait3A_69 = tpu.memref_squeeze %dma_wait3A_68 : memref<1x1024x64xbf16, #tpu.memory_space<vmem>> -> memref<1024x64xbf16, #tpu.memory_space<vmem>>
      %dma_wait3A_70 = arith.constant 0 : i32
      %dma_wait3A_71 = tpu.memref_slice %arg5[%dma_wait3A_70] : memref<25600xi32, #tpu.memory_space<vmem>> -> memref<1024xi32, #tpu.memory_space<vmem>>
      %dma_wait3A_72 = arith.constant 0 : i32
      %dma_wait3A_73 = arith.constant 0 : i32
      %dma_wait3A_74 = tpu.memref_slice %arg3[%dma_wait3A_72, %dma_wait3A_73] : memref<1000000x64xbf16, #tpu.memory_space<hbm>> -> memref<1000000x64xbf16, #tpu.memory_space<hbm>>
      tpu.wait_indirect_dma semaphore(%arg7 : memref<!tpu.dma_semaphore, #tpu.memory_space<semaphore_mem>>) src(%dma_wait3A_74 : memref<1000000x64xbf16, #tpu.memory_space<hbm>>) dst(%dma_wait3A_69 : memref<1024x64xbf16, #tpu.memory_space<vmem>>)
      %mul3A_75 = arith.constant 1024 : i32
      %mul3A_76 = arith.muli %add3A_57, %mul3A_75 : i32
      %multiple_of3A_77 = tpu.assume_multiple %mul3A_76, 1024 : i32
      %add3A_78 = arith.addi %multiple_of3A, %multiple_of3A_77 : i32
      %run_scoped3A_79 = arith.constant 1 : i32
      "tpu.region"() ({
        %run_scoped3A_80 = tpu.sem_alloc : memref<!tpu.dma_semaphore, #tpu.memory_space<semaphore_mem>>
        %dma_start3A_81 = arith.constant 0 : i32
        %dma_start3A_82 = arith.constant 0 : i32
        %dma_start3A_83 = tpu.memref_slice %arg6[%run_scoped3A_79, %dma_start3A_81, %dma_start3A_82] : memref<2x1024x64xbf16, #tpu.memory_space<vmem>> -> memref<1x1024x64xbf16, #tpu.memory_space<vmem>>
        %dma_start3A_84 = tpu.memref_squeeze %dma_start3A_83 : memref<1x1024x64xbf16, #tpu.memory_space<vmem>> -> memref<1024x64xbf16, #tpu.memory_space<vmem>>
        %dma_start3A_85 = arith.constant 0 : i32
        %dma_start3A_86 = tpu.memref_slice %arg4[%add3A_78, %dma_start3A_85] : memref<819200x64xbf16, #tpu.memory_space<hbm>> -> memref<1024x64xbf16, #tpu.memory_space<hbm>>
        %dma_start3A_87 = arith.constant 0 : i32
        %dma_start3A_88 = tpu.memref_slice %arg4[%add3A_78, %dma_start3A_87] : memref<819200x64xbf16, #tpu.memory_space<hbm>> -> memref<1024x64xbf16, #tpu.memory_space<hbm>>
        %dma_start3A_89 = arith.constant 0 : i32
        %dma_start3A_90 = arith.constant 0 : i32
        %dma_start3A_91 = tpu.memref_slice %arg6[%run_scoped3A_79, %dma_start3A_89, %dma_start3A_90] : memref<2x1024x64xbf16, #tpu.memory_space<vmem>> -> memref<1x1024x64xbf16, #tpu.memory_space<vmem>>
        %dma_start3A_92 = tpu.memref_squeeze %dma_start3A_91 : memref<1x1024x64xbf16, #tpu.memory_space<vmem>> -> memref<1024x64xbf16, #tpu.memory_space<vmem>>
        tpu.enqueue_dma source(%dma_start3A_92 : memref<1024x64xbf16, #tpu.memory_space<vmem>>) target(%dma_start3A_88 : memref<1024x64xbf16, #tpu.memory_space<hbm>>) target_semaphore(%run_scoped3A_80 : memref<!tpu.dma_semaphore, #tpu.memory_space<semaphore_mem>>)
        %dma_wait3A_93 = arith.constant 0 : i32
        %dma_wait3A_94 = arith.constant 0 : i32
        %dma_wait3A_95 = tpu.memref_slice %arg6[%run_scoped3A_79, %dma_wait3A_93, %dma_wait3A_94] : memref<2x1024x64xbf16, #tpu.memory_space<vmem>> -> memref<1x1024x64xbf16, #tpu.memory_space<vmem>>
        %dma_wait3A_96 = tpu.memref_squeeze %dma_wait3A_95 : memref<1x1024x64xbf16, #tpu.memory_space<vmem>> -> memref<1024x64xbf16, #tpu.memory_space<vmem>>
        %dma_wait3A_97 = arith.constant 0 : i32
        %dma_wait3A_98 = tpu.memref_slice %arg4[%add3A_78, %dma_wait3A_97] : memref<819200x64xbf16, #tpu.memory_space<hbm>> -> memref<1024x64xbf16, #tpu.memory_space<hbm>>
        %dma_wait3A_99 = arith.constant 0 : i32
        %dma_wait3A_100 = tpu.memref_slice %arg4[%add3A_78, %dma_wait3A_99] : memref<819200x64xbf16, #tpu.memory_space<hbm>> -> memref<1024x64xbf16, #tpu.memory_space<hbm>>
        %dma_wait3A_101 = arith.constant 0 : i32
        %dma_wait3A_102 = arith.constant 0 : i32
        %dma_wait3A_103 = tpu.memref_slice %arg6[%run_scoped3A_79, %dma_wait3A_101, %dma_wait3A_102] : memref<2x1024x64xbf16, #tpu.memory_space<vmem>> -> memref<1x1024x64xbf16, #tpu.memory_space<vmem>>
        %dma_wait3A_104 = tpu.memref_squeeze %dma_wait3A_103 : memref<1x1024x64xbf16, #tpu.memory_space<vmem>> -> memref<1024x64xbf16, #tpu.memory_space<vmem>>
        tpu.wait_dma2 semaphore(%run_scoped3A_80 : memref<!tpu.dma_semaphore, #tpu.memory_space<semaphore_mem>>) src(%dma_wait3A_104 : memref<1024x64xbf16, #tpu.memory_space<vmem>>) dst(%dma_wait3A_100 : memref<1024x64xbf16, #tpu.memory_space<hbm>>)
        tpu.yield
      }) : () -> ()
    }
    %scan3A_17 = arith.constant 12 : i32
    %dma_wait3A = arith.constant 0 : i32
    %dma_wait3A_18 = arith.constant 0 : i32
    %dma_wait3A_19 = arith.constant 0 : i32
    %dma_wait3A_20 = tpu.memref_slice %arg6[%dma_wait3A, %dma_wait3A_18, %dma_wait3A_19] : memref<2x1024x64xbf16, #tpu.memory_space<vmem>> -> memref<1x1024x64xbf16, #tpu.memory_space<vmem>>
    %dma_wait3A_21 = tpu.memref_squeeze %dma_wait3A_20 : memref<1x1024x64xbf16, #tpu.memory_space<vmem>> -> memref<1024x64xbf16, #tpu.memory_space<vmem>>
    %dma_wait3A_22 = arith.constant 0 : i32
    %dma_wait3A_23 = tpu.memref_slice %arg5[%dma_wait3A_22] : memref<25600xi32, #tpu.memory_space<vmem>> -> memref<1024xi32, #tpu.memory_space<vmem>>
    %dma_wait3A_24 = arith.constant 0 : i32
    %dma_wait3A_25 = arith.constant 0 : i32
    %dma_wait3A_26 = tpu.memref_slice %arg3[%dma_wait3A_24, %dma_wait3A_25] : memref<1000000x64xbf16, #tpu.memory_space<hbm>> -> memref<1000000x64xbf16, #tpu.memory_space<hbm>>
    tpu.wait_indirect_dma semaphore(%arg7 : memref<!tpu.dma_semaphore, #tpu.memory_space<semaphore_mem>>) src(%dma_wait3A_26 : memref<1000000x64xbf16, #tpu.memory_space<hbm>>) dst(%dma_wait3A_21 : memref<1024x64xbf16, #tpu.memory_space<vmem>>)
    %multiple_of3A_27 = arith.constant 24576 : i32
    %multiple_of3A_28 = tpu.assume_multiple %multiple_of3A_27, 1024 : i32
    %add3A_29 = arith.addi %multiple_of3A, %multiple_of3A_28 : i32
    %run_scoped3A = arith.constant 0 : i32
    "tpu.region"() ({
      %run_scoped3A_30 = tpu.sem_alloc : memref<!tpu.dma_semaphore, #tpu.memory_space<semaphore_mem>>
      %dma_start3A_31 = arith.constant 0 : i32
      %dma_start3A_32 = arith.constant 0 : i32
      %dma_start3A_33 = tpu.memref_slice %arg6[%run_scoped3A, %dma_start3A_31, %dma_start3A_32] : memref<2x1024x64xbf16, #tpu.memory_space<vmem>> -> memref<1x1024x64xbf16, #tpu.memory_space<vmem>>
      %dma_start3A_34 = tpu.memref_squeeze %dma_start3A_33 : memref<1x1024x64xbf16, #tpu.memory_space<vmem>> -> memref<1024x64xbf16, #tpu.memory_space<vmem>>
      %dma_start3A_35 = arith.constant 0 : i32
      %dma_start3A_36 = tpu.memref_slice %arg4[%add3A_29, %dma_start3A_35] : memref<819200x64xbf16, #tpu.memory_space<hbm>> -> memref<1024x64xbf16, #tpu.memory_space<hbm>>
      %dma_start3A_37 = arith.constant 0 : i32
      %dma_start3A_38 = tpu.memref_slice %arg4[%add3A_29, %dma_start3A_37] : memref<819200x64xbf16, #tpu.memory_space<hbm>> -> memref<1024x64xbf16, #tpu.memory_space<hbm>>
      %dma_start3A_39 = arith.constant 0 : i32
      %dma_start3A_40 = arith.constant 0 : i32
      %dma_start3A_41 = tpu.memref_slice %arg6[%run_scoped3A, %dma_start3A_39, %dma_start3A_40] : memref<2x1024x64xbf16, #tpu.memory_space<vmem>> -> memref<1x1024x64xbf16, #tpu.memory_space<vmem>>
      %dma_start3A_42 = tpu.memref_squeeze %dma_start3A_41 : memref<1x1024x64xbf16, #tpu.memory_space<vmem>> -> memref<1024x64xbf16, #tpu.memory_space<vmem>>
      tpu.enqueue_dma source(%dma_start3A_42 : memref<1024x64xbf16, #tpu.memory_space<vmem>>) target(%dma_start3A_38 : memref<1024x64xbf16, #tpu.memory_space<hbm>>) target_semaphore(%run_scoped3A_30 : memref<!tpu.dma_semaphore, #tpu.memory_space<semaphore_mem>>)
      %dma_wait3A_43 = arith.constant 0 : i32
      %dma_wait3A_44 = arith.constant 0 : i32
      %dma_wait3A_45 = tpu.memref_slice %arg6[%run_scoped3A, %dma_wait3A_43, %dma_wait3A_44] : memref<2x1024x64xbf16, #tpu.memory_space<vmem>> -> memref<1x1024x64xbf16, #tpu.memory_space<vmem>>
      %dma_wait3A_46 = tpu.memref_squeeze %dma_wait3A_45 : memref<1x1024x64xbf16, #tpu.memory_space<vmem>> -> memref<1024x64xbf16, #tpu.memory_space<vmem>>
      %dma_wait3A_47 = arith.constant 0 : i32
      %dma_wait3A_48 = tpu.memref_slice %arg4[%add3A_29, %dma_wait3A_47] : memref<819200x64xbf16, #tpu.memory_space<hbm>> -> memref<1024x64xbf16, #tpu.memory_space<hbm>>
      %dma_wait3A_49 = arith.constant 0 : i32
      %dma_wait3A_50 = tpu.memref_slice %arg4[%add3A_29, %dma_wait3A_49] : memref<819200x64xbf16, #tpu.memory_space<hbm>> -> memref<1024x64xbf16, #tpu.memory_space<hbm>>
      %dma_wait3A_51 = arith.constant 0 : i32
      %dma_wait3A_52 = arith.constant 0 : i32
      %dma_wait3A_53 = tpu.memref_slice %arg6[%run_scoped3A, %dma_wait3A_51, %dma_wait3A_52] : memref<2x1024x64xbf16, #tpu.memory_space<vmem>> -> memref<1x1024x64xbf16, #tpu.memory_space<vmem>>
      %dma_wait3A_54 = tpu.memref_squeeze %dma_wait3A_53 : memref<1x1024x64xbf16, #tpu.memory_space<vmem>> -> memref<1024x64xbf16, #tpu.memory_space<vmem>>
      tpu.wait_dma2 semaphore(%run_scoped3A_30 : memref<!tpu.dma_semaphore, #tpu.memory_space<semaphore_mem>>) src(%dma_wait3A_54 : memref<1024x64xbf16, #tpu.memory_space<vmem>>) dst(%dma_wait3A_50 : memref<1024x64xbf16, #tpu.memory_space<hbm>>)
      tpu.yield
    }) : () -> ()
    return
  }
}

</mosaic_0001>

<sc_bundles>
// kernel: _sc_lookup.3.cloned.1.call-start
scs
__scs_entry_jumppad:
0x0: {  	(pc) =	sbr.rel $0x88, $3  }
0x1: {  	(tag) =	ssettag $0x0;
	lr =	simm.s32 $0x1  }
0x2: {  	[smem:$0x3F9F] =	sst lr;
	_ =	strace $0xD0000000  }
0x3: {  	_ = 	snop  }
0x4: {  	_ = 	snop  }
0x5: {  	_ = 	snop  }
0x6: {  	_ = 	snop  }
0x7: {  	_ = 	snop  }
__scs_overlays_trampoline_lowered:
0x8: {  	[smem:$0x3FAE] =	sst s0  }
0x9: {  	[smem:$0x3FAF] =	sst s1  }
0xa: {  	[smem:$0x3FB0] =	sst s2  }
0xb: {  	[smem:$0x3FB1] =	sst s3  }
0xc: {  	[smem:$0x3FB2] =	sst s4  }
0xd: {  	[smem:$0x3FB3] =	sst s5  }
0xe: {  	[smem:$0x3FB4] =	sst s6  }
0xf: {  	[smem:$0x3FB5] =	sst s7  }
0x10: {  	[smem:$0x3FB6] =	sst s8  }
0x11: {  	[smem:$0x3FB7] =	sst s9;
	s0 =	simm.s32 @!p0 $0x0  }
0x12: {  	s1 =	sld [smem:$0x3F9D];
	s0 =	simm.s32 @p0 $0x1  }
0x13: {  	[smem:$0x3FB8] =	sst s0;
	s0 =	simm.s32 @!p1 $0x0  }
0x14: {  	s2 =	sld [smem:$0x3F9C];
	s0 =	simm.s32 @p1 $0x1  }
0x15: {  	[smem:$0x3FB9] =	sst s0;
	s0 =	simm.s32 @!p2 $0x0  }
0x16: {  	s3 =	sld [smem:$0x3FDB];
	s0 =	simm.s32 @p2 $0x1  }
0x17: {  	s4 =	simm.s32 $0x1BF5;
	[smem:$0x3FBB] =	sst s0  }
0x18: {  	s0 =	sld [smem:$0x3F9E];
	_ =	swait.ge [sflag:s4], $0x0  }
0x19: {  	s7 =	sld [smem:$0x3F9F]  }
0x1a: {  	s8 =	sadd.s32 $0xFFFFE003, lr  }
0x1b: {  	s9 =	sadd.s32 $0xFFFFFEF7, lr;
	s5 =	simm.s32 $0xFFFFFFFF;
	p2 =	slt.u32 s8, $0xFFFFF086  }
0x1c: {  	p1 =	slt.u32 s9, $0xF7A;
	s5 =	simm.s32 @!p2 $0x0  }
0x1d: {  	s5 =	simm.s32 @p1 $0x1;
	p0 =	seq.s32 s7, s2  }
0x1e: {  	s7 =	smul.u32 @!p0 $0xF7A, s2;
	p2 =	seq.s32 @!p0 s5, $0x0  }
0x1f: {  	s9 =	smul.u32 $0xF7A, s1;
	s8 =	simm.s32 @!p0 $0x1BF5;
	p2 =	por !p2, p0  }
0x20: {  	[sflag:s8] =	ssyncset.s32 @!p0 $0xFFFFF086;
	s6 =	sadd.s32 @!p0 s3, s7;
	s7 =	simm.s32 @!p0 $0x108  }
0x21: {  	s3 =	sadd.s32 s3, s9;
	s6 =	sadd.s32 @!p0 $0x88, s6;
	s7 =	simm.s32 @p2 $0x1082  }
0x22: {  	[simem:s7], [sflag:s8] =	dma.local @!p0 [hbm:s6], $0xF7A  }
0x23: {  	s9 =	sor.u32 $0xD0000000, s2;
	s6 =	simm.s32 $0x108;
	_ =	swait.ge @!p0 [sflag:s8], $0x0  }
0x24: {  	s3 =	sadd.s32 $0x88, s3;
	s6 =	simm.s32 @!p1 $0x1082;
	[sflag:s4] =	ssyncset.s32 $0xFFFFF086  }
0x25: {  	[simem:s6], [sflag:s4] =	dma.local [hbm:s3], $0xF7A  }
0x26: {  	[smem:$0x3F9F] =	sst s1;
	(tag) =	ssettag s2;
	_ =	strace s9  }
0x27: {  	s1 =	sld [smem:$0x3FAF]  }
0x28: {  	s2 =	sld [smem:$0x3FB0]  }
0x29: {  	s4 =	sld [smem:$0x3FB2]  }
0x2a: {  	p0 =	seq.s32 s5, $0x0;
	s5 =	sld [smem:$0x3FB3]  }
0x2b: {  	s6 =	sld [smem:$0x3FB4]  }
0x2c: {  	s7 =	sld [smem:$0x3FB5]  }
0x2d: {  	s3 =	simm.s32 $0x108;
	s8 =	sld [smem:$0x3FB6]  }
0x2e: {  	s3 =	simm.s32 @!p0 $0x1082;
	s9 =	sld [smem:$0x3FB7]  }
0x2f: {  	lr =	sadd.s32 s0, s3;
	s0 =	sld [smem:$0x3FAE]  }
0x30: {  	s3 =	sld [smem:$0x3FB1]  }
0x31: {  	[smem:$0x3FBA] =	sst s10  }
0x32: {  	s10 =	sld [smem:$0x3FB8];
	_ =	sdelay $0x3  }
0x33: {  	p0 =	seq.s32 s10, $0x1;
	s10 =	sld [smem:$0x3FBA];
	_ =	sdelay $0x3  }
0x34: {  	[smem:$0x3FBA] =	sst s10  }
0x35: {  	s10 =	sld [smem:$0x3FB9];
	_ =	sdelay $0x3  }
0x36: {  	p1 =	seq.s32 s10, $0x1;
	s10 =	sld [smem:$0x3FBA];
	_ =	sdelay $0x3  }
0x37: {  	[smem:$0x3FBA] =	sst s10  }
0x38: {  	s10 =	sld [smem:$0x3FBB]  }
0x39: {  	_ = 	snop;
	(pc) =	sbr.ind lr, $3  }
0x3a: {  	_ = 	snop  }
0x3b: {  	_ = 	snop  }
0x3c: {  	p2 =	seq.s32 s10, $0x1;
	s10 =	sld [smem:$0x3FBA]  }
0x3d: {  	_ =	shalt  }
0x3e: {  	_ =	shalt  }
0x3f: {  	_ =	shalt  }
0x40: {  	_ =	shalt  }
0x41: {  	_ =	shalt  }
0x42: {  	_ =	shalt  }
0x43: {  	_ =	shalt  }
0x44: {  	_ =	shalt  }
0x45: {  	_ =	shalt  }
0x46: {  	_ =	shalt  }
0x47: {  	_ =	shalt  }
0x48: {  	_ =	shalt  }
0x49: {  	_ =	shalt  }
0x4a: {  	_ =	shalt  }
0x4b: {  	_ =	shalt  }
0x4c: {  	_ =	shalt  }
0x4d: {  	_ =	shalt  }
0x4e: {  	_ =	shalt  }
0x4f: {  	_ =	shalt  }
0x50: {  	_ =	shalt  }
0x51: {  	_ =	shalt  }
0x52: {  	_ =	shalt  }
0x53: {  	_ =	shalt  }
0x54: {  	_ =	shalt  }
0x55: {  	_ =	shalt  }
0x56: {  	_ =	shalt  }
0x57: {  	_ =	shalt  }
0x58: {  	_ =	shalt  }
0x59: {  	_ =	shalt  }
0x5a: {  	_ =	shalt  }
0x5b: {  	_ =	shalt  }
0x5c: {  	_ =	shalt  }
0x5d: {  	_ =	shalt  }
0x5e: {  	_ =	shalt  }
0x5f: {  	_ =	shalt  }
0x60: {  	_ =	shalt  }
0x61: {  	_ =	shalt  }
0x62: {  	_ =	shalt  }
0x63: {  	_ =	shalt  }
0x64: {  	_ =	shalt  }
0x65: {  	_ =	shalt  }
0x66: {  	_ =	shalt  }
0x67: {  	_ =	shalt  }
0x68: {  	_ =	shalt  }
0x69: {  	_ =	shalt  }
0x6a: {  	_ =	shalt  }
0x6b: {  	_ =	shalt  }
0x6c: {  	_ =	shalt  }
0x6d: {  	_ =	shalt  }
0x6e: {  	_ =	shalt  }
0x6f: {  	_ =	shalt  }
0x70: {  	_ =	shalt  }
0x71: {  	_ =	shalt  }
0x72: {  	_ =	shalt  }
0x73: {  	_ =	shalt  }
0x74: {  	_ =	shalt  }
0x75: {  	_ =	shalt  }
0x76: {  	_ =	shalt  }
0x77: {  	_ =	shalt  }
0x78: {  	_ =	shalt  }
0x79: {  	_ =	shalt  }
0x7a: {  	_ =	shalt  }
0x7b: {  	_ =	shalt  }
0x7c: {  	_ =	shalt  }
0x7d: {  	_ =	shalt  }
0x7e: {  	_ =	shalt  }
0x7f: {  	_ =	shalt  }
0x80: {  	_ =	shalt  }
0x81: {  	_ =	shalt  }
0x82: {  	_ =	shalt  }
0x83: {  	_ =	shalt  }
0x84: {  	_ =	shalt  }
0x85: {  	_ =	shalt  }
0x86: {  	_ =	shalt  }
0x87: {  	_ =	shalt  }
.Lfunc_end0:
.L_simem_size_0:
called_computation.2_lowered:
.L_overlay_start_0:
0x88: {  	s2 =	sld [smem:$0x3FD9]  }
0x89: {  	s3 =	sld [smem:$0x3FFE];
	_ =	sdelay $0x1  }
0x8a: {  	s1 =	srdreg.scid  }
0x8b: {  	s0 =	sand.u32 $0x1, s1  }
0x8c: {  	s17 =	sshll.u32 s0, $0xA;
	s2 =	sadd.s32 s3, s2  }
0x8d: {  	s2 =	sadd.s32 s2, s17  }
0x8e: {  	[smem:$0x3FC6] =	sst s2  }
0x8f: {  	_ = 	snop  }
0x90: {  	s2 =	sld [smem:$0x3FC9];
	(tm) =	ssettm $0x1  }
0x91: {  	s18 =	sld [smem:$0x3FFB];
	_ =	sdelay $0x3  }
0x92: {  	_ =	strace s18  }
0x93: {  	s3 =	sld [smem:$0x3FFC];
	_ =	sdelay $0x3  }
0x94: {  	_ =	strace s3  }
0x95: {  	s3 =	sld [smem:$0x3FFD];
	_ =	sdelay $0x3  }
0x96: {  	_ =	strace s3  }
0x97: {  	_ =	strace $0x8FFFFFFF  }
0x98: {  	s19 =	sld [smem:$0x3FDB];
	_ =	sdelay $0x1  }
0x99: {  	s4 =	simm.s32 $_scs_section_size  }
0x9a: {  	s5 =	simm.s32 $_size__tile_overlayer_lowered;
	s6 =	simm.s32 $_tile_overlayer_lowered  }
0x9b: {  	s22 =	simm.s32 $0x1BFF;
	s21 =	sshll.u32 s6, $0x1;
	s3 =	sadd.s32 s4, s19  }
0x9c: {  	s7 =	simm.s32 $0x0;
	s20 =	sshll.u32 s5, $0x1;
	s5 =	sadd.s32 s21, s3  }
0x9d: {  	[timem:s7], [sflag:s22] =	dma.local [hbm:s5], s20  }
0x9e: {  	_ =	swait.ge [sflag:s22], s20  }
0x9f: {  	s4 =	ssub.s32 $0x0, s20;
	[sflag:s22] =	ssyncset.done $0x0  }
0xa0: {  	[sflag:s22] =	ssyncadd.s32 s4;
	_ =	sdelay $0x1  }
0xa1: {  	s23 =	simm.s32 $0x1B8B  }
0xa2: {  	_ =	swait.ge [sflag:s23], $0x1  }
0xa3: {  	[sflag:s23] =	ssyncset.done $0x0  }
0xa4: {  	s25 =	simm.s32 $0x1B8E;
	s24 =	sld [smem:$0x3FFE];
	[sflag:s23] =	ssyncadd.s32 $0xFFFFFFFF  }
0xa5: {  	s26 =	simm.s32 $execute0_lowered;
	[smem:$0x3FD2] =	sst s25  }
0xa6: {  	s5 =	sshll.u32 s26, $0x1;
	_ =	strace $0x80000049;
	[dreg:$0x1] =	wrdreg $0xFFFFFFFF  }
0xa7: {  	s28 =	simm.s32 $_size_execute0_lowered;
	s3 =	sadd.s32 s3, s5;
	[dreg:$0x0] =	wrdreg $0x0  }
0xa8: {  	s5 =	sshll.u32 s28, $0x1;
	[dreg:$0x2] =	wrdreg s3  }
0xa9: {  	[dreg:$0x3] =	wrdreg s5  }
0xaa: {  	[dreg:$0x4] =	wrdreg $0xC0  }
0xab: {  	_ =	task [dreg:s7], $0x5FFFF  }
0xac: {  	[dreg:$0x1] =	wrdreg $0xFFFFFFFF  }
0xad: {  	[dreg:$0x0] =	wrdreg $0x60  }
0xae: {  	[dreg:$0x2] =	wrdreg s2  }
0xaf: {  	[dreg:$0x3] =	wrdreg s24  }
0xb0: {  	[dreg:$0x4] =	wrdreg $0x9  }
0xb1: {  	_ =	task.clear_ibuf [dreg:s7], $0x5FFFF;
	_ =	strace $0x90000049  }
0xb2: {  	s29 =	simm.s32 $0x9;
	_ =	strace $0x8000004B  }
0xb3: {  	_ =	swait.ge [sflag:s29], $0x1  }
0xb4: {  	[sflag:s29] =	ssyncadd.s32 $0xFFFFFFFF  }
0xb5: {  	_ =	strace $0x9000004B  }
0xb6: {  	_ =	sfence  }
0xb7: {  	s30 =	sld [smem:$0x0];
	_ =	sdelay $0x2  }
0xb8: {  	s31 =	sshll.u32 s1, $0xD;
	s1 =	sshrl.u32 s1, $0x2  }
0xb9: {  	s3 =	sand.u32 $0x4000, s31;
	s1 =	sadd.s32 s1, s30  }
0xba: {  	s0 =	sor.u32 s3, s0;
	s1 =	sshll.u32 s1, $0x11  }
0xbb: {  	s0 =	sor.u32 s1, s0  }
0xbc: {  	s0 =	sadd.s32 $0x8F2B, s0  }
0xbd: {  	[sflag:s0] =	ssyncadd.remote.s32 $0x1  }
0xbe: {  	_ =	sfence.sel $0xFFFF  }
0xbf: {  	[dreg:$0x0] =	wrdreg $0xFFFFFFFF;
	(pc) =	sbr.abs _section_cstart, $3  }
0xc0: {  	[dreg:$0x1] =	wrdreg $0xFFFFFFFF  }
0xc1: {  	_ =	task.clear_ibuf [dreg:s7], $0x2FFFF;
	_ =	strace $0x9FFFFFFF  }
0xc2: {  	(tm) =	ssettm $0x7FFFFFFF  }
0xc3: {  	_ =	shalt  }
tec
execute0_lowered:
.L_overlay_start_1:
0x0: {  	(tag) =	ssettag $0x1  }
0x1: {  	s4 =	rddreg [dreg:$0x0];
	s1 =	srdreg.scid  }
0x2: {  	s0 =	stileid.u32;
	s5 =	rddreg [dreg:$0x1]  }
0x3: {  	s2 =	simm.s32 $0x0;
	s12 =	simm.s32 $0xE400;
	s13 =	simm.s32 $0x1  }
0x4: {  	s14 =	simm.s32 $0x0;
	s6 =	sand.u32 $0x1, s1;
	s1 =	rddreg [dreg:$0x2]  }
0x5: {  	s3 =	sshll.u32 s0, $0x1;
	[smem:$0x7FF] =	sst s2;
	s9 =	smul.u32 $0x320000, s0  }
0x6: {  	s7 =	sor.u32 s6, s3;
	s10 =	ssub.s32 $0x2, s6;
	s6 =	smul.u32 $0x190000, s6  }
0x7: {  	s11 =	sadd.s32 $0xC00, s5;
	_ =	strace $0x8000004A;
	s8 =	smul.u32 $0x190000, s7  }
0x8: {  	s3 =	sadd.s32 $0x3D1600, s5;
	s26 =	sshrl.u32 s10, $0x1;
	s7 =	smul.u32 $0xC80, s7  }
0x9: {  	s10 =	ssub.s32 s10, s26;
	s6 =	sadd.s32 s6, s9;
	s9 =	simm.s32 $0x2  }
0xa: {  	s28 =	sshrl.u32 s8, $0x4;
	s4 =	sadd.s32 s4, s7;
	s29 =	sadd.s32 $0x10000, s6  }
0xb: {  	s30 =	sshrl.u32 s6, $0x4;
	s6 =	smax.u32 s10, $0x1;
	s10 =	simm.s32 $0x400  }
0xc: {  	s5 =	sadd.s32 s11, s28;
	s31 =	sshrl.u32 s29, $0x4;
	s7 =	sadd.s32 s30, s11  }
0xd: {  	s5 =	sadd.s32 $0x18000, s5;
	s8 =	sadd.s32 s31, s11;
	s11 =	simm.s32 $0x6400  }
.LBB2_1:
0xe: {  	[tilespmem:s2], [sflag:$0x2] =	stream.linear.gather [hbm4b:s4+s2], $0x6400, $0x38;
	[tilespmem:$0x16400] =	vst v63  }
0xf: {  	_ =	swait.ge [sflag:s9], $0x6400  }
0x10: {  	[sflag:s9] =	ssyncset.done $0x0  }
0x11: {  	[sflag:s9] =	ssyncadd.s32 $0xFFFF9C00  }
0x12: {  	[tilespmem:s11], [sflag:$0x1] =	stream.indirect.gather [hbm4b:s3+s10], $0x20, s2, s10, $0xb8;
	[tilespmem:$0x16400] =	vst v63  }
0x13: {  	s15 =	simm.s32 $0x400  }
0x14: {  	[tilespmem:s12], [sflag:$0x1] =	stream.indirect.gather [hbm4b:s3+s10], $0x20, s15, s10, $0xb8;
	[tilespmem:$0x16400] =	vst v63  }
0x15: {  	_ =	swait.ge [sflag:s13], $0x8000  }
0x16: {  	[sflag:s13] =	ssyncset.done $0x0  }
0x17: {  	s29 =	sadd.s32 $0x0, s7;
	[sflag:s13] =	ssyncadd.s32 $0xFFFF8000  }
0x18: {  	[hbm4b:s29+s2] =	stream.linear.scatter [tilespmem:s11], [sflag:$0x2], $0x8000, $0x38;
	[tilespmem:$0x16400] =	vst v63  }
0x19: {  	_ =	swait.ge [sflag:s9], $0x8000  }
0x1a: {  	[sflag:s9] =	ssyncset.done $0x0  }
0x1b: {  	s30 =	simm.s32 $0x800;
	[sflag:s9] =	ssyncadd.s32 $0xFFFF8000  }
0x1c: {  	[tilespmem:s11], [sflag:$0x1] =	stream.indirect.gather [hbm4b:s3+s10], $0x20, s30, s10, $0xb8;
	[tilespmem:$0x16400] =	vst v63  }
0x1d: {  	_ =	swait.ge [sflag:s13], $0x8000  }
0x1e: {  	[sflag:s13] =	ssyncset.done $0x0  }
0x1f: {  	s31 =	sadd.s32 $0x0, s8;
	[sflag:s13] =	ssyncadd.s32 $0xFFFF8000  }
0x20: {  	[hbm4b:s31+s2] =	stream.linear.scatter [tilespmem:s12], [sflag:$0x2], $0x8000, $0x38;
	[tilespmem:$0x16400] =	vst v63  }
0x21: {  	s17 =	simm.s32 $0x4000;
	_ =	swait.ge [sflag:s9], $0x8000  }
0x22: {  	s16 =	simm.s32 $0x800;
	s15 =	simm.s32 $0x2000;
	[sflag:s9] =	ssyncset.done $0x0  }
.LBB2_2:
0x23: {  	s18 =	sadd.s32 $0x400, s16  }
0x24: {  	[sflag:s9] =	ssyncadd.s32 $0xFFFF8000;
	s19 =	smov.u32 s17;
	s20 =	sadd.s32 $0x2000, s17  }
0x25: {  	[tilespmem:s12], [sflag:$0x1] =	stream.indirect.gather [hbm4b:s3+s10], $0x20, s18, s10, $0xb8;
	[tilespmem:$0x16400] =	vst v63  }
0x26: {  	p0 =	sne.s32 s17, $0x16000;
	_ =	swait.ge [sflag:s13], $0x8000  }
0x27: {  	[sflag:s13] =	ssyncset.done $0x0  }
0x28: {  	s17 =	sadd.s32 s15, s7;
	[sflag:s13] =	ssyncadd.s32 $0xFFFF8000  }
0x29: {  	[hbm4b:s17+s2] =	stream.linear.scatter [tilespmem:s11], [sflag:$0x2], $0x8000, $0x38;
	[tilespmem:$0x16400] =	vst v63  }
0x2a: {  	_ =	swait.ge [sflag:s9], $0x8000  }
0x2b: {  	[sflag:s9] =	ssyncset.done $0x0  }
0x2c: {  	s16 =	sadd.s32 $0x800, s16;
	[sflag:s9] =	ssyncadd.s32 $0xFFFF8000  }
0x2d: {  	[tilespmem:s11], [sflag:$0x1] =	stream.indirect.gather [hbm4b:s3+s10], $0x20, s16, s10, $0xb8;
	[tilespmem:$0x16400] =	vst v63  }
0x2e: {  	_ =	swait.ge [sflag:s13], $0x8000  }
.Ltmp0:
0x2f: {  	[sflag:s13] =	ssyncset.done $0x0;
	(pc) =	sbr.rel @p0 .LBB2_2-.Ltmp0, $4  }
0x30: {  	s16 =	sadd.s32 s15, s8;
	s15 =	smov.u32 s19;
	[sflag:s13] =	ssyncadd.s32 $0xFFFF8000  }
0x31: {  	[hbm4b:s16+s2] =	stream.linear.scatter [tilespmem:s12], [sflag:$0x2], $0x8000, $0x38;
	[tilespmem:$0x16400] =	vst v63  }
0x32: {  	_ =	swait.ge [sflag:s9], $0x8000  }
0x33: {  	s17 =	smov.u32 s20;
	s16 =	sshra.s32 s15, $0x2;
	[sflag:s9] =	ssyncset.done $0x0  }
0x34: {  	s17 =	sadd.s32 $0x400, s16;
	[sflag:s9] =	ssyncadd.s32 $0xFFFF8000  }
0x35: {  	[tilespmem:s12], [sflag:$0x1] =	stream.indirect.gather [hbm4b:s3+s10], $0x20, s17, s10, $0xb8;
	[tilespmem:$0x16400] =	vst v63  }
0x36: {  	_ =	swait.ge [sflag:s13], $0x8000  }
0x37: {  	[sflag:s13] =	ssyncset.done $0x0  }
0x38: {  	s29 =	sadd.s32 s15, s7;
	[sflag:s13] =	ssyncadd.s32 $0xFFFF8000  }
0x39: {  	[hbm4b:s29+s2] =	stream.linear.scatter [tilespmem:s11], [sflag:$0x2], $0x8000, $0x38;
	[tilespmem:$0x16400] =	vst v63  }
0x3a: {  	_ =	swait.ge [sflag:s9], $0x8000  }
0x3b: {  	[sflag:s9] =	ssyncset.done $0x0  }
0x3c: {  	s30 =	sadd.s32 $0x800, s16;
	[sflag:s9] =	ssyncadd.s32 $0xFFFF8000  }
0x3d: {  	[tilespmem:s11], [sflag:$0x1] =	stream.indirect.gather [hbm4b:s3+s10], $0x20, s30, s10, $0xb8;
	[tilespmem:$0x16400] =	vst v63  }
0x3e: {  	_ =	swait.ge [sflag:s13], $0x8000  }
0x3f: {  	[sflag:s13] =	ssyncset.done $0x0  }
0x40: {  	s31 =	sadd.s32 s15, s8;
	[sflag:s13] =	ssyncadd.s32 $0xFFFF8000  }
0x41: {  	[hbm4b:s31+s2] =	stream.linear.scatter [tilespmem:s12], [sflag:$0x2], $0x8000, $0x38;
	[tilespmem:$0x16400] =	vst v63  }
0x42: {  	_ =	swait.ge [sflag:s9], $0x8000  }
0x43: {  	[sflag:s9] =	ssyncset.done $0x0  }
0x44: {  	[sflag:s9] =	ssyncadd.s32 $0xFFFF8000  }
0x45: {  	s14 =	sadd.s32 $0x1, s14;
	_ =	swait.ge [sflag:s13], $0x8000  }
0x46: {  	p0 =	sne.s32 s14, s6;
	[sflag:s13] =	ssyncset.done $0x0  }
.Ltmp1:
0x47: {  	[sflag:s13] =	ssyncadd.s32 $0xFFFF8000;
	(pc) =	sbr.rel @p0 .LBB2_1-.Ltmp1, $4  }
0x48: {  	[hbm4b:s5+s2] =	stream.linear.scatter [tilespmem:s11], [sflag:$0x2], $0x8000, $0x38;
	[tilespmem:$0x16400] =	vst v63  }
0x49: {  	_ =	swait.ge [sflag:s9], $0x8000  }
0x4a: {  	[sflag:s9] =	ssyncset.done $0x0  }
0x4b: {  	[sflag:s9] =	ssyncadd.s32 $0xFFFF8000  }
0x4c: {  	_ =	sfence.sel $0x180000  }
0x4d: {  	[bflag:$0x0] =	sbarrier.arrive $0xFFFF  }
0x4e: {  	p0 =	sne.s32 s0, $0x0;
	_ =	strace $0x9000004A  }
0x4f: {  	s0 =	sadd.s32 @!p0 $0x100000, s1;
	[bflag:$0x2] =	sbarrier.arrive $0xFFFF  }
0x50: {  	[sflag:s0] =	ssyncadd.tile.s32 @!p0 $0x1;
	_ =	shalt  }
.Lfunc_end2:
_tile_overlayer_lowered:
.L_overlay_start_2:
0x51: {  	(tag) =	ssettag $0x2  }
0x52: {  	s0 =	rddreg [dreg:$0x0];
	s2 =	stileid.u32  }
0x53: {  	s1 =	rddreg [dreg:$0x1];
	p0 =	sne.s32 s2, $0x0  }
0x54: {  	s3 =	rddreg [dreg:$0x2];
	[bflag:$0x3] =	sbarrier.arrive $0xFFFF;
	s2 =	simm.s32 @!p0 $0x1C02  }
0x55: {  	[timem:s3], [sflag:s2] =	dma.local @!p0 [hbm:s0], s1  }
0x56: {  	s0 =	simm.s32 @!p0 $0x2  }
0x57: {  	_ =	swait.ge @!p0 [sflag:s0], s1  }
0x58: {  	s1 =	ssub.s32 @!p0 $0x0, s1;
	[sflag:s0] =	ssyncset.done @!p0 $0x0  }
0x59: {  	[sflag:s0] =	ssyncadd.s32 @!p0 s1  }
0x5a: {  	[bflag:$0x3] =	sbarrier.arrive $0xFFFF  }
0x5b: {  	_ =	shalt  }

// kernel: sparse-core-data-format-call.1.cloned.1.call-start
scs
called_computation.1_lowered:
.L_overlay_start_0:
0x0: {  	s1 =	sld [smem:$0x3FD9]  }
0x1: {  	s2 =	sld [smem:$0x3FFE];
	_ =	sdelay $0x1  }
0x2: {  	s3 =	srdreg.scid  }
0x3: {  	s0 =	sand.u32 $0x1, s3  }
0x4: {  	s17 =	sshll.u32 s0, $0xA;
	s1 =	sadd.s32 s2, s1  }
0x5: {  	s1 =	sadd.s32 s1, s17  }
0x6: {  	[smem:$0x3FC6] =	sst s1  }
0x7: {  	_ = 	snop  }
0x8: {  	(tm) =	ssettm $0x1  }
0x9: {  	s18 =	sld [smem:$0x3FFB];
	_ =	sdelay $0x3  }
0xa: {  	_ =	strace s18  }
0xb: {  	s1 =	sld [smem:$0x3FFC];
	_ =	sdelay $0x3  }
0xc: {  	_ =	strace s1  }
0xd: {  	s1 =	sld [smem:$0x3FFD];
	_ =	sdelay $0x3  }
0xe: {  	_ =	strace s1  }
0xf: {  	_ =	strace $0x8FFFFFFF  }
0x10: {  	s19 =	sld [smem:$0x3FDB];
	_ =	sdelay $0x1  }
0x11: {  	s20 =	simm.s32 $_scs_section_size  }
0x12: {  	s4 =	simm.s32 $_size__tile_overlayer_lowered;
	s5 =	simm.s32 $_tile_overlayer_lowered  }
0x13: {  	s23 =	simm.s32 $0x1BFF;
	s22 =	sshll.u32 s5, $0x1;
	s1 =	sadd.s32 s20, s19  }
0x14: {  	s6 =	simm.s32 $0x0;
	s21 =	sshll.u32 s4, $0x1;
	s4 =	sadd.s32 s22, s1  }
0x15: {  	[timem:s6], [sflag:s23] =	dma.local [hbm:s4], s21  }
0x16: {  	_ =	swait.ge [sflag:s23], s21  }
0x17: {  	s2 =	ssub.s32 $0x0, s21;
	[sflag:s23] =	ssyncset.done $0x0  }
0x18: {  	[sflag:s23] =	ssyncadd.s32 s2;
	_ =	sdelay $0x1  }
0x19: {  	s24 =	simm.s32 $0x1B8B  }
0x1a: {  	_ =	swait.ge [sflag:s24], $0x1  }
0x1b: {  	[sflag:s24] =	ssyncset.done $0x0  }
0x1c: {  	s26 =	simm.s32 $0x1B8E;
	s25 =	sld [smem:$0x3FFE];
	[sflag:s24] =	ssyncadd.s32 $0xFFFFFFFF  }
0x1d: {  	s27 =	simm.s32 $execute0_lowered;
	[smem:$0x3FD2] =	sst s26  }
0x1e: {  	s4 =	sshll.u32 s27, $0x1;
	_ =	strace $0x80000046;
	[dreg:$0x1] =	wrdreg $0xFFFFFFFF  }
0x1f: {  	s28 =	simm.s32 $_size_execute0_lowered;
	s1 =	sadd.s32 s1, s4;
	[dreg:$0x0] =	wrdreg $0x0  }
0x20: {  	s4 =	sshll.u32 s28, $0x1;
	[dreg:$0x2] =	wrdreg s1  }
0x21: {  	[dreg:$0x3] =	wrdreg s4  }
0x22: {  	[dreg:$0x4] =	wrdreg $0xC0  }
0x23: {  	_ =	task [dreg:s6], $0x5FFFF  }
0x24: {  	[dreg:$0x1] =	wrdreg $0xFFFFFFFF  }
0x25: {  	[dreg:$0x0] =	wrdreg $0x60  }
0x26: {  	[dreg:$0x2] =	wrdreg s25  }
0x27: {  	[dreg:$0x3] =	wrdreg $0x9  }
0x28: {  	_ =	task.clear_ibuf [dreg:s6], $0x4FFFF;
	_ =	strace $0x90000046  }
0x29: {  	s29 =	simm.s32 $0x9;
	_ =	strace $0x80000048  }
0x2a: {  	_ =	swait.ge [sflag:s29], $0x1  }
0x2b: {  	[sflag:s29] =	ssyncadd.s32 $0xFFFFFFFF  }
0x2c: {  	_ =	strace $0x90000048  }
0x2d: {  	_ =	sfence  }
0x2e: {  	s30 =	sld [smem:$0x0];
	_ =	sdelay $0x2  }
0x2f: {  	s31 =	sshll.u32 s3, $0xD;
	s3 =	sshrl.u32 s3, $0x2  }
0x30: {  	s2 =	sand.u32 $0x4000, s31;
	s1 =	sadd.s32 s3, s30  }
0x31: {  	s0 =	sor.u32 s2, s0;
	s1 =	sshll.u32 s1, $0x11  }
0x32: {  	s0 =	sor.u32 s1, s0  }
0x33: {  	s0 =	sadd.s32 $0x8F2B, s0  }
0x34: {  	[sflag:s0] =	ssyncadd.remote.s32 $0x1  }
0x35: {  	_ =	sfence.sel $0xFFFF  }
0x36: {  	[dreg:$0x0] =	wrdreg $0xFFFFFFFF;
	(pc) =	sbr.abs _section_cstart, $3  }
0x37: {  	[dreg:$0x1] =	wrdreg $0xFFFFFFFF  }
0x38: {  	_ =	task.clear_ibuf [dreg:s6], $0x2FFFF;
	_ =	strace $0x9FFFFFFF  }
0x39: {  	(tm) =	ssettm $0x7FFFFFFF  }
tec
execute0_lowered:
.L_overlay_start_1:
0x0: {  	(tag) =	ssettag $0x1  }
0x1: {  	s0 =	srdreg.scid  }
0x2: {  	s5 =	rddreg [dreg:$0x0];
	s1 =	stileid.u32;
	s4 =	simm.s32 $0x1  }
0x3: {  	s6 =	simm.s32 $0x2;
	s8 =	simm.s32 $0x0;
	s2 =	sshll.u32 s0, $0x4  }
0x4: {  	s9 =	simm.s32 $0x0;
	s13 =	simm.s32 $0x0;
	s2 =	sand.u32 $0x10, s2  }
.Ltmp0:
0x5: {  	s10 =	simm.s32 $0x0;
	s3 =	sor.u32 s1, s2;
	(pc) =	sbr.rel .LBB1_1-.Ltmp0, $4  }
0x6: {  	s0 =	rddreg [dreg:$0x1];
	_ =	strace $0x80000047;
	s3 =	sshll.u32 s3, $0x4  }
0x7: {  	s12 =	simm.s32 $0x0;
	[sflag:s4] =	ssyncpa.u1 $0x0;
	s7 =	ssub.s32 $0x7A10, s3  }
0x8: {  	s2 =	sadd.s32 $0xC00, s5;
	[sflag:s6] =	ssyncpa.u1 $0x0;
	s6 =	sshrl.u32 s7, $0x9  }
0x9: {  	s5 =	sadd.s32 $0x3D1600, s5;
	s11 =	smov.u32 s3;
	s7 =	sor.u32 $0x2, s6  }
.LBB1_7:
0xa: {  	s15 =	sshll.u32 s12, $0xF  }
0xb: {  	s15 =	sand.u32 $0x8000, s15  }
0xc: {  	s16 =	sshll.u32 s10, $0x7;
	s15 =	sshrl.u32 s15, $0x1  }
0xd: {  	s16 =	sadd.s32 s5, s16;
	s15 =	sor.u32 $0x8000, s15  }
0xe: {  	[hbm4b:s16+s8] =	stream.linear.scatter [tilespmem:s15], [sflag:$0x2], s14, $0x38;
	[tilespmem:$0x10000] =	vst v63  }
.LBB1_8:
0xf: {  	p0 =	slt.u32 s12, $0x2  }
0x10: {  	p1 =	sgt.s32 @!p0 s13, $0x7A02  }
0x11: {  	s14 =	smov.u32 s13;
	s15 =	sshra.s32 @!p0 s13, $0x1F;
	p1 =	por !p1, p0  }
0x12: {  	s13 =	sand.u32 @!p0 s15, s13;
	s14 =	simm.s32 @p1 $0x7A02  }
0x13: {  	s13 =	ssub.s32 @!p0 s14, s13  }
0x14: {  	s13 =	sadd.s32 @!p0 $0xFFFF85FE, s13  }
0x15: {  	s14 =	sshll.u32 @!p0 s13, $0xC  }
0x16: {  	p1 =	sgt.s32 @!p0 s13, $0xF;
	s13 =	ssub.s32 @!p0 $0x10000, s14  }
0x17: {  	s15 =	sadd.s32 $0x200, s11;
	p1 =	por !p1, p0;
	s13 =	sshrl.u32 @!p0 s13, $0x2  }
0x18: {  	s13 =	simm.s32 @!p1 $0x0;
	p1 =	sgt.s32 s15, $0x7A11  }
0x19: {  	s15 =	smov.u32 @p1 s3;
	p1 =	sne.s32 s12, s7  }
.Ltmp1:
0x1a: {  	_ = 	snop;
	(pc) =	sbr.rel @!p1 .LBB1_9-.Ltmp1, $4  }
0x1b: {  	s14 =	simm.s32 @!p0 $0x2  }
0x1c: {  	s9 =	sadd.s32 $0x8000, s9;
	_ =	swait.ge @!p0 [sflag:s14], s13;
	s16 =	ssub.s32 @!p0 $0x0, s13  }
0x1d: {  	s13 =	smov.u32 s10;
	s12 =	sadd.s32 $0x1, s12;
	[sflag:s14] =	ssyncset.done @!p0 $0x0  }
0x1e: {  	s10 =	smov.u32 s11;
	s11 =	smov.u32 s15;
	[sflag:s14] =	ssyncadd.s32 @!p0 s16  }
.LBB1_1:
0x1f: {  	p0 =	sgt.u32 s12, s6  }
0x20: {  	p1 =	sgt.s32 @!p0 s11, $0x7A02  }
0x21: {  	s14 =	smov.u32 s11;
	s15 =	sshra.s32 @!p0 s11, $0x1F;
	p1 =	por !p1, p0  }
0x22: {  	s15 =	sand.u32 @!p0 s15, s11;
	s14 =	simm.s32 @p1 $0x7A02  }
0x23: {  	s14 =	ssub.s32 @!p0 s14, s15  }
0x24: {  	s14 =	sadd.s32 @!p0 $0xFFFF85FE, s14  }
0x25: {  	s16 =	sshll.u32 @!p0 s11, $0x7;
	s17 =	simm.s32 @!p0 $0x0;
	s15 =	sshll.u32 @!p0 s14, $0xC  }
0x26: {  	p1 =	sgt.s32 @!p0 s14, $0xF;
	s14 =	ssub.s32 @!p0 $0x10000, s15;
	s15 =	sxor.u32 @!p0 $0xFFFFFFFF, s12  }
0x27: {  	p1 =	por !p1, p0;
	s14 =	sshrl.u32 @!p0 s14, $0x2;
	s15 =	sshll.u32 @!p0 s15, $0xE  }
0x28: {  	s16 =	sadd.s32 @!p0 s2, s16;
	s14 =	simm.s32 @!p1 $0x0;
	s15 =	sand.u32 @!p0 $0x4000, s15  }
0x29: {  	[tilespmem:s15], [sflag:$0x1] =	stream.linear.gather @!p0 [hbm4b:s16+s17], s14, $0x38;
	[tilespmem:$0x10000] =	vst v63  }
0x2a: {  	p0 =	seq.s32 s12, $0x0  }
0x2b: {  	p1 =	sge.u32 @!p0 s12, s7  }
0x2c: {  	p0 =	por p0, p1  }
.Ltmp2:
0x2d: {  	_ = 	snop;
	(pc) =	sbr.rel @p0 .LBB1_8-.Ltmp2, $1  }
0x2e: {  	_ =	sdelay $0x3  }
0x2f: {  	p0 =	sgt.s32 s10, $0x7A02;
	s14 =	smov.u32 s10;
	s15 =	sshra.s32 s10, $0x1F  }
0x30: {  	s14 =	simm.s32 @!p0 $0x7A02;
	s15 =	sand.u32 s15, s10  }
0x31: {  	s14 =	ssub.s32 s14, s15  }
0x32: {  	s16 =	sadd.s32 $0x10, s10;
	s14 =	sadd.s32 $0xFFFF85FE, s14  }
0x33: {  	p1 =	slt.s32 s16, $0x7A12;
	s30 =	sshll.u32 s14, $0xC  }
0x34: {  	s16 =	simm.s32 @!p1 $0x7A12;
	s15 =	ssub.s32 $0x10000, s30  }
0x35: {  	p0 =	sgt.s32 s14, $0xF;
	s14 =	sshrl.u32 s15, $0x2;
	s15 =	ssub.s32 s16, s10  }
0x36: {  	s14 =	simm.s32 @p0 $0x0;
	p0 =	slt.s32 s15, $0x1  }
.Ltmp3:
0x37: {  	_ = 	snop;
	(pc) =	sbr.rel @p0 .LBB1_7-.Ltmp3, $4  }
0x38: {  	_ = 	snop  }
0x39: {  	_ =	swait.ge [sflag:s4], s14  }
0x3a: {  	s31 =	ssub.s32 $0x0, s14;
	[sflag:s4] =	ssyncset.done $0x0  }
0x3b: {  	[sflag:s4] =	ssyncadd.s32 s31  }
0x3c: {  	s16 =	sshrl.u32 s9, $0x1  }
0x3d: {  	s17 =	sand.u32 $0x4000, s16  }
0x3e: {  	s18 =	simm.s32 $0x0;
	s16 =	sor.u32 $0x200, s17;
	s17 =	sor.u32 $0x8080, s17  }
.LBB1_4:
0x3f: {  	v0 =	vld [tilespmem:s16+$0xFFFFFE70]  }
0x40: {  	v1 =	vld [tilespmem:s16+$0x70]  }
0x41: {  	v2 =	vld [tilespmem:s16+$0x0]  }
0x42: {  	v3 =	vld [tilespmem:s16+$0xFFFFFE10]  }
0x43: {  	v4 =	vld [tilespmem:s16+$0x10]  }
0x44: {  	v5 =	vld [tilespmem:s16+$0xFFFFFE20]  }
0x45: {  	v7 =	vld [tilespmem:s16+$0x20]  }
0x46: {  	v11 =	vld [tilespmem:s16+$0x30];
	v6 =	vunpack.i.l.s16.s32 v0;
	v8 =	vunpack.i.u.s16.s32 v0;
	v9 =	vunpack.i.u.s16.s32 v1  }
0x47: {  	v10 =	vunpack.i.l.s16.s32 v1;
	v0 =	vunpack.i.u.s16.s32 v2;
	v1 =	vunpack.i.l.s16.s32 v2;
	v2 =	vld [tilespmem:s16+$0xFFFFFE30]  }
0x48: {  	v8 =	vpack.i.b32.b16 v9, v8;
	v9 =	vunpack.i.u.s16.s32 v3;
	v3 =	vunpack.i.l.s16.s32 v3  }
0x49: {  	v12 =	vld [tilespmem:s16+$0xFFFFFE40];
	v6 =	vpack.i.b32.b16 v10, v6;
	[tilespmem:s17+$0x70] =	vst v8;
	v8 =	vunpack.i.u.s16.s32 v4;
	v4 =	vunpack.i.l.s16.s32 v4  }
0x4a: {  	v13 =	vld [tilespmem:s16+$0x40];
	v10 =	vunpack.i.u.s16.s32 v5;
	v5 =	vunpack.i.l.s16.s32 v5;
	[tilespmem:s17+$0xFFFFFFF0] =	vst v6;
	v3 =	vpack.i.b32.b16 v4, v3  }
0x4b: {  	v6 =	vunpack.i.l.s16.s32 v7;
	v4 =	vld [tilespmem:s16+$0xFFFFFE50];
	[tilespmem:s17+$0xFFFFFF90] =	vst v3;
	v3 =	vpack.i.b32.b16 v8, v9;
	v8 =	vunpack.i.u.s16.s32 v7  }
0x4c: {  	v7 =	vunpack.i.l.s16.s32 v11;
	[tilespmem:s17+$0x10] =	vst v3;
	v3 =	vpack.i.b32.b16 v6, v5;
	v9 =	vunpack.i.u.s16.s32 v2;
	v6 =	vld [tilespmem:s16+$0x50]  }
0x4d: {  	v5 =	vunpack.i.l.s16.s32 v2;
	v2 =	vld [tilespmem:s16+$0xFFFFFE60];
	[tilespmem:s17+$0xFFFFFFA0] =	vst v3;
	v3 =	vpack.i.b32.b16 v8, v10;
	v10 =	vunpack.i.u.s16.s32 v11  }
0x4e: {  	s21 =	simm.s32 $0x0;
	v11 =	vpack.i.b32.b16 v7, v5;
	v7 =	vunpack.i.u.s16.s32 v12;
	v8 =	vunpack.i.l.s16.s32 v12;
	[tilespmem:s17+$0x20] =	vst v3;
	v3 =	vld [tilespmem:s16+$0x60]  }
0x4f: {  	s22 =	sadd.s32 $0x80, s16;
	s20 =	smov.u32 s17;
	s19 =	smov.u32 s17;
	v5 =	vld [tilespmem:s16+$0xFFFFFE00];
	[tilespmem:s17+$0xFFFFFFB0] =	vst v11;
	v10 =	vpack.i.b32.b16 v10, v9;
	v9 =	vunpack.i.u.s16.s32 v13;
	v11 =	vunpack.i.l.s16.s32 v13  }
.LBB1_5:
0x50: {  	v12 =	vld [tilespmem:s22+$0xFFFFFE70];
	[tilespmem:s20+$0x30] =	vst v10;
	v8 =	vpack.i.b32.b16 v11, v8;
	v10 =	vunpack.i.u.s16.s32 v4;
	v4 =	vunpack.i.l.s16.s32 v4  }
0x51: {  	s21 =	sadd.s32 $0x2, s21;
	v7 =	vpack.i.b32.b16 v9, v7;
	v11 =	vld [tilespmem:s22+$0x70];
	[tilespmem:s20+$0xFFFFFFC0] =	vst v8;
	v8 =	vunpack.i.u.s16.s32 v6;
	v6 =	vunpack.i.l.s16.s32 v6  }
0x52: {  	p0 =	slt.u32 s21, $0x6;
	v9 =	vld [tilespmem:s22+$0x0];
	[tilespmem:s20+$0x40] =	vst v7;
	v4 =	vpack.i.b32.b16 v6, v4;
	v6 =	vunpack.i.u.s16.s32 v2;
	v2 =	vunpack.i.l.s16.s32 v2  }
0x53: {  	v7 =	vld [tilespmem:s22+$0xFFFFFE10];
	[tilespmem:s20+$0xFFFFFFD0] =	vst v4;
	v4 =	vpack.i.b32.b16 v8, v10;
	v8 =	vunpack.i.u.s16.s32 v3;
	v3 =	vunpack.i.l.s16.s32 v3  }
0x54: {  	v10 =	vld [tilespmem:s22+$0x10];
	v13 =	vunpack.i.u.s16.s32 v5;
	v5 =	vunpack.i.l.s16.s32 v5;
	[tilespmem:s20+$0x50] =	vst v4;
	v2 =	vpack.i.b32.b16 v3, v2  }
0x55: {  	v3 =	vld [tilespmem:s22+$0xFFFFFE20];
	v4 =	vunpack.i.l.s16.s32 v12;
	v1 =	vpack.i.b32.b16 v1, v5;
	v5 =	vpack.i.b32.b16 v0, v13;
	[tilespmem:s20+$0xFFFFFFE0] =	vst v2  }
0x56: {  	v12 =	vunpack.i.u.s16.s32 v12;
	v2 =	vld [tilespmem:s22+$0x20];
	v13 =	vunpack.i.u.s16.s32 v11;
	v11 =	vunpack.i.l.s16.s32 v11;
	[tilespmem:s20+$0xFFFFFF80] =	vst v1  }
0x57: {  	s20 =	sadd.s32 $0x100, s20;
	v0 =	vunpack.i.u.s16.s32 v9;
	v1 =	vunpack.i.l.s16.s32 v9;
	v9 =	vld [tilespmem:s22+$0xFFFFFE30];
	v12 =	vpack.i.b32.b16 v13, v12;
	[tilespmem:s19+$0x0] =	vst v5  }
0x58: {  	v6 =	vpack.i.b32.b16 v8, v6;
	v5 =	vunpack.i.u.s16.s32 v7;
	v7 =	vunpack.i.l.s16.s32 v7;
	v13 =	vld [tilespmem:s22+$0x30];
	[tilespmem:s20+$0x70] =	vst v12  }
0x59: {  	v4 =	vpack.i.b32.b16 v11, v4;
	v8 =	vunpack.i.u.s16.s32 v10;
	v10 =	vunpack.i.l.s16.s32 v10;
	v12 =	vld [tilespmem:s22+$0xFFFFFE40];
	[tilespmem:s19+$0x60] =	vst v6;
	s19 =	smov.u32 s20  }
0x5a: {  	v6 =	vpack.i.b32.b16 v10, v7;
	v7 =	vunpack.i.u.s16.s32 v3;
	v3 =	vunpack.i.l.s16.s32 v3;
	v11 =	vld [tilespmem:s22+$0x40];
	[tilespmem:s20+$0xFFFFFFF0] =	vst v4  }
.Ltmp4:
0x5b: {  	v5 =	vpack.i.b32.b16 v8, v5;
	[tilespmem:s20+$0xFFFFFF90] =	vst v6;
	v8 =	vunpack.i.u.s16.s32 v2;
	v2 =	vunpack.i.l.s16.s32 v2;
	v4 =	vld [tilespmem:s22+$0xFFFFFE50];
	(pc) =	sbr.rel @p0 .LBB1_5-.Ltmp4, $4  }
0x5c: {  	[tilespmem:s20+$0x10] =	vst v5;
	v2 =	vpack.i.b32.b16 v2, v3;
	v10 =	vunpack.i.u.s16.s32 v9;
	v3 =	vunpack.i.l.s16.s32 v9;
	v6 =	vld [tilespmem:s22+$0x50]  }
0x5d: {  	v5 =	vpack.i.b32.b16 v8, v7;
	[tilespmem:s20+$0xFFFFFFA0] =	vst v2;
	v9 =	vunpack.i.u.s16.s32 v13;
	v7 =	vunpack.i.l.s16.s32 v13;
	v2 =	vld [tilespmem:s22+$0xFFFFFE60]  }
0x5e: {  	[tilespmem:s20+$0x20] =	vst v5;
	v13 =	vpack.i.b32.b16 v7, v3;
	v7 =	vunpack.i.u.s16.s32 v12;
	v8 =	vunpack.i.l.s16.s32 v12;
	v3 =	vld [tilespmem:s22+$0x60]  }
0x5f: {  	v10 =	vpack.i.b32.b16 v9, v10;
	v5 =	vld [tilespmem:s22+$0xFFFFFE00];
	[tilespmem:s20+$0xFFFFFFB0] =	vst v13;
	v9 =	vunpack.i.u.s16.s32 v11;
	v11 =	vunpack.i.l.s16.s32 v11;
	s22 =	sadd.s32 $0x80, s22  }
0x60: {  	[tilespmem:s20+$0x30] =	vst v10;
	v8 =	vpack.i.b32.b16 v11, v8  }
0x61: {  	v51 =	vunpack.i.l.s16.s32 v4;
	v7 =	vpack.i.b32.b16 v9, v7;
	[tilespmem:s20+$0xFFFFFFC0] =	vst v8;
	v52 =	vunpack.i.l.s16.s32 v6  }
0x62: {  	v53 =	vunpack.i.u.s16.s32 v4;
	s18 =	sadd.s32 $0x1, s18;
	v54 =	vunpack.i.u.s16.s32 v6;
	[tilespmem:s20+$0x40] =	vst v7;
	v55 =	vpack.i.b32.b16 v52, v51  }
0x63: {  	p0 =	sne.s32 s18, s15;
	v56 =	vunpack.i.l.s16.s32 v2;
	v4 =	vpack.i.b32.b16 v54, v53;
	[tilespmem:s20+$0xFFFFFFD0] =	vst v55;
	v57 =	vunpack.i.l.s16.s32 v3  }
.Ltmp5:
0x64: {  	[tilespmem:s20+$0x50] =	vst v4;
	v58 =	vunpack.i.l.s16.s32 v5;
	v59 =	vpack.i.b32.b16 v57, v56;
	(pc) =	sbr.rel @p0 .LBB1_4-.Ltmp5, $4  }
.Ltmp6:
0x65: {  	v61 =	vunpack.i.u.s16.s32 v2;
	v62 =	vunpack.i.u.s16.s32 v3;
	v1 =	vpack.i.b32.b16 v1, v58;
	[tilespmem:s20+$0xFFFFFFE0] =	vst v59;
	(pc) =	sbr.rel @!p0 .LBB1_7-.Ltmp6, $4  }
0x66: {  	v60 =	vunpack.i.u.s16.s32 v5;
	v63 =	vpack.i.b32.b16 v62, v61;
	[tilespmem:s20+$0xFFFFFF80] =	vst v1  }
0x67: {  	v0 =	vpack.i.b32.b16 v0, v60;
	[tilespmem:s19+$0x60] =	vst v63  }
0x68: {  	s16 =	sadd.s32 $0x400, s16;
	s17 =	sadd.s32 $0x400, s17;
	[tilespmem:s19+$0x0] =	vst v0  }
0x69: {  	_ = 	snop  }
.LBB1_9:
0x6a: {  	_ =	sfence.sel $0x180000  }
0x6b: {  	s2 =	simm.s32 $0x1;
	[bflag:$0x0] =	sbarrier.arrive $0xFFFF  }
0x6c: {  	s31 =	simm.s32 $0x2;
	[sflag:s2] =	ssyncpa.u1 $0x1  }
0x6d: {  	[sflag:s31] =	ssyncpa.u1 $0x1  }
0x6e: {  	p0 =	sne.s32 s1, $0x0;
	_ =	strace $0x90000047  }
0x6f: {  	s0 =	sadd.s32 @!p0 $0x100000, s0;
	[bflag:$0x2] =	sbarrier.arrive $0xFFFF  }
0x70: {  	[sflag:s0] =	ssyncadd.tile.s32 @!p0 $0x1;
	_ =	shalt  }
.Lfunc_end1:
_tile_overlayer_lowered:
.L_overlay_start_2:
0x71: {  	(tag) =	ssettag $0x2  }
0x72: {  	s0 =	rddreg [dreg:$0x0];
	s2 =	stileid.u32  }
0x73: {  	s1 =	rddreg [dreg:$0x1];
	p0 =	sne.s32 s2, $0x0  }
0x74: {  	s3 =	rddreg [dreg:$0x2];
	[bflag:$0x3] =	sbarrier.arrive $0xFFFF;
	s2 =	simm.s32 @!p0 $0x1C01  }
0x75: {  	[timem:s3], [sflag:s2] =	dma.local @!p0 [hbm:s0], s1  }
0x76: {  	s0 =	simm.s32 @!p0 $0x1  }
0x77: {  	_ =	swait.ge @!p0 [sflag:s0], s1  }
0x78: {  	s1 =	ssub.s32 @!p0 $0x0, s1;
	[sflag:s0] =	ssyncset.done @!p0 $0x0  }
0x79: {  	[sflag:s0] =	ssyncadd.s32 @!p0 s1  }
0x7a: {  	[bflag:$0x3] =	sbarrier.arrive $0xFFFF  }
0x7b: {  	_ =	shalt  }

// kernel: sparse-core-data-format-call.cloned.1.call-start
scs
called_computation_lowered:
.L_overlay_start_0:
0x0: {  	s2 =	sld [smem:$0x3FD9]  }
0x1: {  	s3 =	sld [smem:$0x3FFE];
	_ =	sdelay $0x1  }
0x2: {  	s1 =	srdreg.scid  }
0x3: {  	s0 =	sand.u32 $0x1, s1  }
0x4: {  	s18 =	sshll.u32 s0, $0xA;
	s2 =	sadd.s32 s3, s2  }
0x5: {  	s2 =	sadd.s32 s2, s18  }
0x6: {  	[smem:$0x3FC6] =	sst s2  }
0x7: {  	_ = 	snop  }
0x8: {  	s2 =	sld [smem:$0x3FD0];
	(tm) =	ssettm $0x1  }
0x9: {  	s19 =	sld [smem:$0x3FFB];
	_ =	sdelay $0x3  }
0xa: {  	_ =	strace s19  }
0xb: {  	s3 =	sld [smem:$0x3FFC];
	_ =	sdelay $0x3  }
0xc: {  	_ =	strace s3  }
0xd: {  	s3 =	sld [smem:$0x3FFD];
	_ =	sdelay $0x3  }
0xe: {  	_ =	strace s3  }
0xf: {  	_ =	strace $0x8FFFFFFF  }
0x10: {  	s20 =	sld [smem:$0x3FDB];
	_ =	sdelay $0x1  }
0x11: {  	s4 =	simm.s32 $_scs_section_size  }
0x12: {  	s5 =	simm.s32 $_size__tile_overlayer_lowered;
	s6 =	simm.s32 $_tile_overlayer_lowered  }
0x13: {  	s23 =	simm.s32 $0x1BFF;
	s22 =	sshll.u32 s6, $0x1;
	s3 =	sadd.s32 s4, s20  }
0x14: {  	s7 =	simm.s32 $0x0;
	s21 =	sshll.u32 s5, $0x1;
	s5 =	sadd.s32 s22, s3  }
0x15: {  	[timem:s7], [sflag:s23] =	dma.local [hbm:s5], s21  }
0x16: {  	_ =	swait.ge [sflag:s23], s21  }
0x17: {  	s4 =	ssub.s32 $0x0, s21;
	[sflag:s23] =	ssyncset.done $0x0  }
0x18: {  	[sflag:s23] =	ssyncadd.s32 s4;
	_ =	sdelay $0x1  }
0x19: {  	s24 =	simm.s32 $0x1B8B  }
0x1a: {  	_ =	swait.ge [sflag:s24], $0x1  }
0x1b: {  	[sflag:s24] =	ssyncset.done $0x0  }
0x1c: {  	s26 =	simm.s32 $0x1B8E;
	s25 =	sld [smem:$0x3FFE];
	[sflag:s24] =	ssyncadd.s32 $0xFFFFFFFF  }
0x1d: {  	s27 =	simm.s32 $execute0_lowered;
	[smem:$0x3FD2] =	sst s26  }
0x1e: {  	s5 =	sshll.u32 s27, $0x1;
	_ =	strace $0x8000004C;
	[dreg:$0x1] =	wrdreg $0xFFFFFFFF  }
0x1f: {  	s28 =	simm.s32 $_size_execute0_lowered;
	s3 =	sadd.s32 s3, s5;
	[dreg:$0x0] =	wrdreg $0x0  }
0x20: {  	s5 =	sshll.u32 s28, $0x1;
	[dreg:$0x2] =	wrdreg s3  }
0x21: {  	[dreg:$0x3] =	wrdreg s5  }
0x22: {  	[dreg:$0x4] =	wrdreg $0xC0  }
0x23: {  	_ =	task [dreg:s7], $0x5FFFF  }
0x24: {  	[dreg:$0x1] =	wrdreg $0xFFFFFFFF  }
0x25: {  	[dreg:$0x0] =	wrdreg $0x60  }
0x26: {  	[dreg:$0x2] =	wrdreg s25  }
0x27: {  	[dreg:$0x3] =	wrdreg s2  }
0x28: {  	[dreg:$0x4] =	wrdreg $0x9  }
0x29: {  	_ =	task.clear_ibuf [dreg:s7], $0x5FFFF;
	_ =	strace $0x9000004C  }
0x2a: {  	s29 =	simm.s32 $0x9;
	_ =	strace $0x8000004E  }
0x2b: {  	_ =	swait.ge [sflag:s29], $0x1  }
0x2c: {  	[sflag:s29] =	ssyncadd.s32 $0xFFFFFFFF  }
0x2d: {  	_ =	strace $0x9000004E  }
0x2e: {  	_ =	sfence  }
0x2f: {  	s30 =	sld [smem:$0x0];
	_ =	sdelay $0x2  }
0x30: {  	s31 =	sshll.u32 s1, $0xD;
	s1 =	sshrl.u32 s1, $0x2  }
0x31: {  	s3 =	sand.u32 $0x4000, s31;
	s1 =	sadd.s32 s1, s30  }
0x32: {  	s0 =	sor.u32 s3, s0;
	s1 =	sshll.u32 s1, $0x11  }
0x33: {  	s0 =	sor.u32 s1, s0  }
0x34: {  	s0 =	sadd.s32 $0x8F2B, s0  }
0x35: {  	[sflag:s0] =	ssyncadd.remote.s32 $0x1  }
0x36: {  	_ =	sfence.sel $0xFFFF  }
0x37: {  	[dreg:$0x0] =	wrdreg $0xFFFFFFFF;
	(pc) =	sbr.abs _section_cstart, $3  }
0x38: {  	[dreg:$0x1] =	wrdreg $0xFFFFFFFF  }
0x39: {  	_ =	task.clear_ibuf [dreg:s7], $0x2FFFF;
	_ =	strace $0x9FFFFFFF  }
0x3a: {  	(tm) =	ssettm $0x7FFFFFFF  }
0x3b: {  	_ =	shalt  }
tec
execute0_lowered:
.L_overlay_start_1:
0x0: {  	(tag) =	ssettag $0x1  }
0x1: {  	s0 =	srdreg.scid  }
0x2: {  	s1 =	sshll.u32 s0, $0x4  }
0x3: {  	s4 =	rddreg [dreg:$0x0];
	s0 =	stileid.u32;
	s1 =	sand.u32 $0x10, s1  }
0x4: {  	s2 =	rddreg [dreg:$0x1];
	s7 =	simm.s32 $0x1;
	s1 =	sor.u32 s0, s1  }
0x5: {  	s8 =	simm.s32 $0x2;
	s11 =	simm.s32 $0x0;
	s3 =	sshll.u32 s1, $0x7  }
0x6: {  	s10 =	simm.s32 $0x0;
	s4 =	sadd.s32 $0x320C00, s4;
	s6 =	ssub.s32 $0xC8000, s3  }
.Ltmp0:
0x7: {  	s1 =	rddreg [dreg:$0x2];
	s5 =	sand.u32 $0xF80, s6;
	(pc) =	sbr.rel .LBB1_1-.Ltmp0, $4  }
0x8: {  	_ =	strace $0x8000004D;
	s9 =	smov.u32 s3;
	p0 =	sne.s32 s5, $0x0  }
0x9: {  	s6 =	sshrl.u32 s6, $0xC;
	s5 =	simm.s32 $0x1;
	s7 =	simm.s32 @!p0 $0x0  }
0xa: {  	[sflag:s5] =	ssyncpa.u1 $0x0;
	p0 =	por $0x0, $0x0;
	s6 =	sadd.s32 s7, s6  }
0xb: {  	[sflag:s8] =	ssyncpa.u1 $0x0;
	s8 =	simm.s32 $0x320000;
	s7 =	sadd.s32 $0x1, s6  }
.LBB1_4:
0xc: {  	s15 =	sshll.u32 s11, $0x3;
	s25 =	sshll.u32 s11, $0x1  }
0xd: {  	s16 =	sand.u32 $0xFFFFFC00, s15;
	s11 =	sand.u32 $0xFE, s25  }
0xe: {  	s11 =	sor.u32 s11, s16  }
0xf: {  	s17 =	smulhi.u32 $0x51EB851F, s11  }
0x10: {  	s26 =	sand.u32 $0x7C, s14;
	v2 =	vcombine.high v4, v2;
	[tilespmem:s13+$0x810 ss:$0x81] =	vst.msk $0xffff, v8;
	v3 =	vperm.xlane.i2c.b16 v3;
	s27 =	sand.u32 $0x80, s14;
	s15 =	smulhi.u32 $0x51EB851F, s15  }
0x11: {  	v1 =	vperm.xlane.i2c.b16 v1;
	[tilespmem:s13+$0x0 ss:$0x81] =	vst.msk $0xffff, v7;
	v60 =	vperm.xlane.i2c.b16 v6;
	s14 =	sshrl.u32 s27, $0x1;
	s16 =	sshrl.u32 s26, $0x1;
	s17 =	sshrl.u32 s17, $0x12  }
0x12: {  	[tilespmem:s13+$0x811 ss:$0x81] =	vst.msk $0xffff, v5;
	v61 =	vcombine.low v3, v0;
	s16 =	sadd.s32 s16, s12;
	s15 =	sshrl.u32 s15, $0x12;
	s17 =	smul.u32 $0xC8000, s17  }
0x13: {  	[tilespmem:s13+$0x1 ss:$0x81] =	vst.msk $0xffff, v2;
	v62 =	vcombine.low v60, v1;
	s28 =	sadd.s32 s14, s16;
	s29 =	sand.u32 $0x3F, s15  }
0x14: {  	v1 =	vcombine.high v60, v1;
	[tilespmem:s28+$0x810 ss:$0x81] =	vst.msk $0xffff, v61;
	s14 =	smul.u32 $0xC800, s29;
	s11 =	ssub.s32 s11, s17  }
0x15: {  	v63 =	vcombine.high v3, v0;
	[tilespmem:s28+$0x0 ss:$0x81] =	vst.msk $0xffff, v62;
	s30 =	sshll.u32 s11, $0x11  }
0x16: {  	[tilespmem:s28+$0x1 ss:$0x81] =	vst.msk $0xffff, v1;
	s14 =	sadd.s32 s2, s14;
	s11 =	sshrl.u32 s11, $0x4;
	s15 =	sand.u32 $0x1C0000, s30  }
0x17: {  	[tilespmem:s28+$0x811 ss:$0x81] =	vst.msk $0xffff, v63;
	s11 =	sadd.s32 s11, s14;
	s31 =	sor.u32 $0x200, s15  }
0x18: {  	[hbm4b:s11+s31] =	stream.strided.scatter [tilespmem:s12], [sflag:$0x2], $0x1000, s8, s31, $0x20;
	[tilespmem:$0x4040] =	vst v63  }
.LBB1_5:
0x19: {  	s13 =	sadd.s32 $0x1000, s9  }
0x1a: {  	p2 =	sgt.s32 s13, $0xC7FFF  }
0x1b: {  	s13 =	smov.u32 @p2 s3;
	p2 =	sne.s32 s10, s7  }
.Ltmp1:
0x1c: {  	p1 =	slt.u32 s10, $0x2;
	(pc) =	sbr.rel @!p2 .LBB1_6-.Ltmp1, $4  }
0x1d: {  	s12 =	simm.s32 @!p1 $0x2  }
0x1e: {  	s14 =	sadd.s32 $0x1, s10;
	_ =	swait.ge @!p1 [sflag:s12], $0x1000  }
0x1f: {  	s11 =	smov.u32 s9;
	p0 =	por !p0, !p0;
	[sflag:s12] =	ssyncset.done @!p1 $0x0  }
0x20: {  	s10 =	smov.u32 s14;
	s9 =	smov.u32 s13;
	[sflag:s12] =	ssyncadd.s32 @!p1 $0xFFFFF000  }
.LBB1_1:
0x21: {  	p1 =	sge.u32 s10, s6  }
0x22: {  	s12 =	sand.u32 @!p1 $0x1FFFFFE, s9  }
0x23: {  	s13 =	smulhi.u32 @!p1 $0x147AE15, s12;
	_ =	sdelay $0x1  }
0x24: {  	s13 =	sshrl.u32 @!p1 s13, $0xC  }
0x25: {  	s13 =	smul.u32 @!p1 $0xC8000, s13;
	_ =	sdelay $0x1  }
0x26: {  	s31 =	sadd.s32 $0xFFFFFFFF, s10;
	s12 =	ssub.s32 @!p1 s12, s13;
	s13 =	sxor.u32 @!p1 $0xFFFFFFFF, s10  }
0x27: {  	s14 =	simm.s32 @!p1 $0x40;
	s12 =	sshll.u32 @!p1 s12, $0x3;
	s13 =	sshll.u32 @!p1 s13, $0xC  }
0x28: {  	s15 =	simm.s32 @!p1 $0x80;
	s12 =	sadd.s32 @!p1 s4, s12;
	s13 =	sand.u32 @!p1 $0x1000, s13  }
0x29: {  	[tilespmem:s13], [sflag:$0x1] =	stream.strided.gather @!p1 [hbm4b:s12+s14], $0x1000, s15, s14, $0x38;
	[tilespmem:$0x4040] =	vst v63  }
0x2a: {  	p1 =	sge.u32 s31, s6  }
.Ltmp2:
0x2b: {  	_ = 	snop;
	(pc) =	sbr.rel @p1 .LBB1_5-.Ltmp2, $1  }
0x2c: {  	_ =	sdelay $0x3  }
0x2d: {  	s12 =	simm.s32 $0x1  }
0x2e: {  	_ =	swait.ge [sflag:s5], $0x1000;
	s12 =	simm.s32 @!p0 $0x0  }
0x2f: {  	[sflag:s5] =	ssyncset.done $0x0;
	s12 =	sshll.u32 s12, $0xC  }
0x30: {  	[sflag:s5] =	ssyncadd.s32 $0xFFFFF000;
	s12 =	sor.u32 $0x20, s12  }
0x31: {  	v0 =	vld [tilespmem:s12+$0x10]  }
0x32: {  	v1 =	vld [tilespmem:s12+$0xFFFFFFF0]  }
0x33: {  	v4 =	vld [tilespmem:s12+$0xFFFFFFE0]  }
0x34: {  	v3 =	vld [tilespmem:s12+$0x0];
	s14 =	sadd.s32 $0x40, s12  }
0x35: {  	s13 =	sand.u32 $0x1, s10;
	v5 =	vld [tilespmem:s14+$0x10]  }
0x36: {  	s30 =	smul.u32 $0x4080, s13  }
0x37: {  	s31 =	simm.s32 $0x0  }
0x38: {  	s15 =	sand.u32 $0x7C, s31;
	s12 =	sshrl.u32 s30, $0x2;
	v6 =	vld [tilespmem:s14+$0xFFFFFFE0];
	v2 =	vperm.xlane.i2c.b16 v1;
	v4 =	vperm.xlane.i2c.b16 v4  }
0x39: {  	s13 =	sand.u32 $0x80, s31;
	s16 =	sshrl.u32 s15, $0x1;
	s12 =	sor.u32 $0x2000, s12;
	v9 =	vperm.xlane.i2c.b16 v0;
	v10 =	vperm.xlane.i2c.b16 v3;
	v1 =	vld [tilespmem:s14+$0xFFFFFFF0]  }
0x3a: {  	s15 =	simm.s32 $0x2;
	s13 =	sshrl.u32 s13, $0x1;
	s17 =	sadd.s32 s16, s12;
	v3 =	vld [tilespmem:s14+$0x0];
	v0 =	vperm.xlane.i2c.b16 v5;
	v7 =	vcombine.low v4, v2  }
0x3b: {  	s16 =	sadd.s32 $0x40, s14;
	s13 =	sadd.s32 s13, s17;
	s14 =	simm.s32 $0x4;
	v8 =	vcombine.low v10, v9;
	v5 =	vcombine.high v10, v9  }
.LBB1_3:
0x3c: {  	s15 =	sadd.s32 $0x2, s15  }
0x3d: {  	v9 =	vld [tilespmem:s16+$0x10];
	v10 =	vcombine.high v4, v2;
	[tilespmem:s13+$0x810 ss:$0x81] =	vst.msk $0xffff, v8;
	p1 =	slt.u32 s15, $0x7E  }
.Ltmp3:
0x3e: {  	v2 =	vperm.xlane.i2c.b16 v1;
	v1 =	vld [tilespmem:s16+$0xFFFFFFF0];
	[tilespmem:s13+$0x0 ss:$0x81] =	vst.msk $0xffff, v7;
	(pc) =	sbr.rel @p1 .LBB1_3-.Ltmp3, $4  }
0x3f: {  	s17 =	sand.u32 $0x7C, s14;
	v4 =	vperm.xlane.i2c.b16 v6;
	v11 =	vperm.xlane.i2c.b16 v3;
	v3 =	vld [tilespmem:s16+$0x0];
	[tilespmem:s13+$0x1 ss:$0x81] =	vst.msk $0xffff, v10  }
0x40: {  	s18 =	sand.u32 $0x80, s14;
	s17 =	sshrl.u32 s17, $0x1;
	v6 =	vld [tilespmem:s16+$0xFFFFFFE0];
	[tilespmem:s13+$0x811 ss:$0x81] =	vst.msk $0xffff, v5  }
0x41: {  	v7 =	vcombine.low v4, v2;
	v8 =	vcombine.low v11, v0;
	s13 =	sadd.s32 s17, s12;
	s17 =	sshrl.u32 s18, $0x1  }
0x42: {  	s14 =	sadd.s32 $0x4, s14;
	s16 =	sadd.s32 $0x40, s16;
	v5 =	vcombine.high v11, v0;
	s13 =	sadd.s32 s17, s13;
	v0 =	vperm.xlane.i2c.b16 v9  }
.Ltmp4:
0x43: {  	_ = 	snop;
	(pc) =	sbr.rel .LBB1_4-.Ltmp4, $1  }
0x44: {  	_ =	sdelay $0x3  }
.LBB1_6:
0x45: {  	_ =	sfence.sel $0x180000  }
0x46: {  	s2 =	simm.s32 $0x1;
	[bflag:$0x0] =	sbarrier.arrive $0xFFFF  }
0x47: {  	s31 =	simm.s32 $0x2;
	[sflag:s2] =	ssyncpa.u1 $0x1  }
0x48: {  	[sflag:s31] =	ssyncpa.u1 $0x1  }
0x49: {  	p0 =	sne.s32 s0, $0x0;
	_ =	strace $0x9000004D  }
0x4a: {  	s0 =	sadd.s32 @!p0 $0x100000, s1;
	[bflag:$0x2] =	sbarrier.arrive $0xFFFF  }
0x4b: {  	[sflag:s0] =	ssyncadd.tile.s32 @!p0 $0x1;
	_ =	shalt  }
.Lfunc_end1:
_tile_overlayer_lowered:
.L_overlay_start_2:
0x4c: {  	(tag) =	ssettag $0x2  }
0x4d: {  	s0 =	rddreg [dreg:$0x0];
	s2 =	stileid.u32  }
0x4e: {  	s1 =	rddreg [dreg:$0x1];
	p0 =	sne.s32 s2, $0x0  }
0x4f: {  	s3 =	rddreg [dreg:$0x2];
	[bflag:$0x3] =	sbarrier.arrive $0xFFFF;
	s2 =	simm.s32 @!p0 $0x1C01  }
0x50: {  	[timem:s3], [sflag:s2] =	dma.local @!p0 [hbm:s0], s1  }
0x51: {  	s0 =	simm.s32 @!p0 $0x1  }
0x52: {  	_ =	swait.ge @!p0 [sflag:s0], s1  }
0x53: {  	s1 =	ssub.s32 @!p0 $0x0, s1;
	[sflag:s0] =	ssyncset.done @!p0 $0x0  }
0x54: {  	[sflag:s0] =	ssyncadd.s32 @!p0 s1  }
0x55: {  	[bflag:$0x3] =	sbarrier.arrive $0xFFFF  }
0x56: {  	_ =	shalt  }

</sc_bundles>
